<compile_context>
chip_gen: v7x
topology: tpu7x:2x2x1
jax: 0.10.2.dev20260603
libtpu: 0.0.44.dev20260713+nightly
codegen_flags: <defaults>
</compile_context>

<pallas_src>
import functools

import jax
import jax.numpy as jnp
from jax import lax
from jax.experimental import pallas as pl
from jax.experimental.pallas import tpu as pltpu
from jax.experimental.pallas import tpu_sc as plsc

_INFO = plsc.get_sparse_core_info()
_NC, _NS, _L = _INFO.num_cores, _INFO.num_subcores, _INFO.num_lanes
_NW = _NC * _NS


def _make_lookup(NB, CTX, D):
    B = NB * CTX
    BPW = B // _NW
    WPB = _NW // NB
    K = 16
    mesh = plsc.VectorSubcoreMesh(core_axis_name="c", subcore_axis_name="s")

    @functools.partial(
        pl.kernel,
        mesh=mesh,
        compiler_params=pltpu.CompilerParams(
            use_tc_tiling_on_sc=True, needs_layout_passes=False),
        out_type=jax.ShapeDtypeStruct((NB, CTX, D), jnp.float32),
        scratch_types=[
            pltpu.VMEM((BPW,), jnp.int32),
            pltpu.VMEM((BPW, D), jnp.float32),
            pltpu.SemaphoreType.DMA,
        ],
    )
    def lookup(table_hbm, idx_hbm, out_hbm, idx_v, rows_v, sem):
        wid = lax.axis_index("s") * _NC + lax.axis_index("c")
        b = wid // WPB
        t0 = (wid % WPB) * BPW
        pltpu.sync_copy(idx_hbm.at[b, pl.ds(t0, BPW)], idx_v)

        def fire_group(g, carry):
            chunk = idx_v[pl.ds(g * K, K)]
            for j in range(K):
                pltpu.async_copy(
                    table_hbm.at[pl.ds(chunk[j], 1)],
                    rows_v.at[pl.ds(g * K + j, 1)],
                    sem,
                )
            return carry

        lax.fori_loop(0, BPW // K, fire_group, 0)

        def drain_group(g, carry):
            for j in range(K):
                pltpu.make_async_copy(
                    table_hbm.at[pl.ds(0, 1)],
                    rows_v.at[pl.ds(g * K + j, 1)],
                    sem,
                ).wait()
            return carry

        lax.fori_loop(0, BPW // K, drain_group, 0)

        zeros = jnp.zeros((_L,), jnp.float32)

        def fix_chunk(c, carry):
            ids = idx_v[pl.ds(c * _L, _L)]
            pad = ids == 0
            npad = jnp.sum(pad.astype(jnp.int32))

            @pl.when(npad > 0)
            def _():
                rows = c * _L + lax.iota(jnp.int32, _L)

                def zero_col(col, carry2):
                    plsc.store_scatter(
                        rows_v,
                        [rows, jnp.full((_L,), 0, jnp.int32) + col],
                        zeros,
                        mask=pad,
                    )
                    return carry2

                lax.fori_loop(0, D, zero_col, 0)

            return carry

        lax.fori_loop(0, BPW // _L, fix_chunk, 0)
        pltpu.sync_copy(rows_v, out_hbm.at[b, pl.ds(t0, BPW)])

    return lookup


def kernel(inputs, embedding_matrix):
    nb, ctx = inputs.shape
    _, D = embedding_matrix.shape
    return _make_lookup(nb, ctx, D)(embedding_matrix, inputs)

# --- scband reference (transcript-rebuilt; emitter-appended) ---
"""Pipeline reference for scband-token-embedding-4183298146924 (READ-ONLY COPY).

The authoritative reference and input builder live on the scoring server;
editing this copy changes nothing except your own understanding.
"""

import jax, jax.numpy as jnp
import numpy as np

VOCAB_SIZE = 100000
EMBEDDING_DIM = 64
MAX_CONTEXT = 2048
PADDING_TOKEN = 0
INIT_STDDEV = 0.02


def setup_inputs(seed: int = 0) -> dict:
    key = jax.random.key(seed)
    k1, k2 = jax.random.split(key)
    inputs = jax.random.randint(k1, (4, 2048), 0, VOCAB_SIZE, dtype=jnp.int64 if jax.config.jax_enable_x64 else jnp.int32).astype(jnp.int32)
    embedding_matrix = jax.random.normal(k2, (VOCAB_SIZE, EMBEDDING_DIM), dtype=jnp.float32) * INIT_STDDEV
    return {"inputs": inputs, "embedding_matrix": embedding_matrix}


def reference(inputs, embedding_matrix):
    # Faithful translation of TokenEmbedding.call with transpose=False.
    if inputs.shape[1] > MAX_CONTEXT:
        inputs = inputs[:, -MAX_CONTEXT:]
    embedding = jnp.take(embedding_matrix, inputs.astype(jnp.int32), axis=0)
    # padding_token is not None -> apply padding mask
    mask = (inputs != PADDING_TOKEN).astype(jnp.float32)
    mask = jnp.expand_dims(mask, axis=-1)
    mask = jnp.tile(mask, (1, 1, EMBEDDING_DIM))
    return embedding * mask

if __name__ == "__main__":
    import jax
    _d = setup_inputs()
    print(jax.jit(kernel)(*tuple(_d.values())))

</pallas_src>

<mosaic_0001>
#map = affine_map<(d0, d1) -> (0, 0)>
#map1 = affine_map<(d0, d1) -> (0, 0, 0)>
module attributes {stable_mosaic.version = 14 : i64} {
  func.func @lookup(%arg0: i32, %arg1: i32, %arg2: memref<100000x64xf32, #tpu.memory_space<hbm>>, %arg3: memref<4x2048xi32, #tpu.memory_space<hbm>>, %arg4: memref<4x2048x64xf32, #tpu.memory_space<hbm>>, %arg5: memref<256xi32, #tpu.memory_space<vmem>>, %arg6: memref<256x64xf32, #tpu.memory_space<vmem>>, %arg7: memref<!tpu.dma_semaphore, #tpu.memory_space<semaphore_mem>>) attributes {dimension_semantics = [#tpu.dimension_semantics<core_parallel>, #tpu.dimension_semantics<subcore_parallel>], iteration_bounds = array<i64: 2, 16>, scalar_prefetch = 0 : i64, scratch_operands = 3 : i64, tpu.core_type = #tpu.core_type<sc_vector_subcore>, window_params = [{transform_indices = #map}, {transform_indices = #map}, {transform_indices = #map1}]} {
    %mul3A = arith.constant 2 : i32
    %mul3A_0 = arith.muli %arg1, %mul3A : i32
    %add3A = arith.addi %mul3A_0, %arg0 : i32
    %jit3A = arith.constant 8 : i32
    %div3A = arith.divsi %add3A, %jit3A : i32
    %sign3A = arith.constant 0 : i32
    %sign3A_1 = arith.cmpi sgt, %add3A, %sign3A : i32
    %sign3A_2 = arith.extui %sign3A_1 : i1 to i32
    %sign3A_3 = arith.constant 0 : i32
    %sign3A_4 = arith.cmpi slt, %add3A, %sign3A_3 : i32
    %sign3A_5 = arith.extui %sign3A_4 : i1 to i32
    %sign3A_6 = arith.subi %sign3A_2, %sign3A_5 : i32
    %sign3A_7 = arith.constant 0 : i32
    %sign3A_8 = arith.cmpi sgt, %jit3A, %sign3A_7 : i32
    %sign3A_9 = arith.extui %sign3A_8 : i1 to i32
    %sign3A_10 = arith.constant 0 : i32
    %sign3A_11 = arith.cmpi slt, %jit3A, %sign3A_10 : i32
    %sign3A_12 = arith.extui %sign3A_11 : i1 to i32
    %sign3A_13 = arith.subi %sign3A_9, %sign3A_12 : i32
    %ne3A = arith.cmpi ne, %sign3A_6, %sign3A_13 : i32
    %rem3A = arith.remsi %add3A, %jit3A : i32
    %ne3A_14 = arith.constant 0 : i32
    %ne3A_15 = arith.cmpi ne, %rem3A, %ne3A_14 : i32
    %and3A = arith.andi %ne3A, %ne3A_15 : i1
    %sub3A = arith.constant 1 : i32
    %sub3A_16 = arith.subi %div3A, %sub3A : i32
    %select_n3A = arith.select %and3A, %sub3A_16, %div3A : i32
    %jit3A_17 = arith.constant 8 : i32
    %eq3A = arith.constant 0 : i32
    %eq3A_18 = arith.cmpi eq, %jit3A_17, %eq3A : i32
    %jit3A_19 = arith.constant 1 : i32
    %select_n3A_20 = arith.select %eq3A_18, %jit3A_19, %jit3A_17 : i32
    %rem3A_21 = arith.remsi %add3A, %select_n3A_20 : i32
    %ne3A_22 = arith.constant 0 : i32
    %ne3A_23 = arith.cmpi ne, %rem3A_21, %ne3A_22 : i32
    %lt3A = arith.constant 0 : i32
    %lt3A_24 = arith.cmpi slt, %rem3A_21, %lt3A : i32
    %lt3A_25 = arith.constant 0 : i32
    %lt3A_26 = arith.cmpi slt, %select_n3A_20, %lt3A_25 : i32
    %ne3A_27 = arith.xori %lt3A_24, %lt3A_26 : i1
    %and3A_28 = arith.andi %ne3A_27, %ne3A_23 : i1
    %add3A_29 = arith.addi %rem3A_21, %select_n3A_20 : i32
    %select_n3A_30 = arith.select %and3A_28, %add3A_29, %rem3A_21 : i32
    %mul3A_31 = arith.constant 256 : i32
    %mul3A_32 = arith.muli %select_n3A_30, %mul3A_31 : i32
    "tpu.region"() ({
      %run_scoped3A = tpu.sem_alloc : memref<!tpu.dma_semaphore, #tpu.memory_space<semaphore_mem>>
      %dma_start3A = tpu.memref_slice %arg3[%select_n3A, %mul3A_32] : memref<4x2048xi32, #tpu.memory_space<hbm>> -> memref<1x256xi32, #tpu.memory_space<hbm>>
      %dma_start3A_51 = tpu.memref_squeeze %dma_start3A : memref<1x256xi32, #tpu.memory_space<hbm>> -> memref<256xi32, #tpu.memory_space<hbm>>
      %dma_start3A_52 = tpu.memref_slice %arg3[%select_n3A, %mul3A_32] : memref<4x2048xi32, #tpu.memory_space<hbm>> -> memref<1x256xi32, #tpu.memory_space<hbm>>
      %dma_start3A_53 = tpu.memref_squeeze %dma_start3A_52 : memref<1x256xi32, #tpu.memory_space<hbm>> -> memref<256xi32, #tpu.memory_space<hbm>>
      tpu.enqueue_dma source(%dma_start3A_53 : memref<256xi32, #tpu.memory_space<hbm>>) target(%arg5 : memref<256xi32, #tpu.memory_space<vmem>>) target_semaphore(%run_scoped3A : memref<!tpu.dma_semaphore, #tpu.memory_space<semaphore_mem>>)
      %dma_wait3A = tpu.memref_slice %arg3[%select_n3A, %mul3A_32] : memref<4x2048xi32, #tpu.memory_space<hbm>> -> memref<1x256xi32, #tpu.memory_space<hbm>>
      %dma_wait3A_54 = tpu.memref_squeeze %dma_wait3A : memref<1x256xi32, #tpu.memory_space<hbm>> -> memref<256xi32, #tpu.memory_space<hbm>>
      %dma_wait3A_55 = tpu.memref_slice %arg3[%select_n3A, %mul3A_32] : memref<4x2048xi32, #tpu.memory_space<hbm>> -> memref<1x256xi32, #tpu.memory_space<hbm>>
      %dma_wait3A_56 = tpu.memref_squeeze %dma_wait3A_55 : memref<1x256xi32, #tpu.memory_space<hbm>> -> memref<256xi32, #tpu.memory_space<hbm>>
      tpu.wait_dma2 semaphore(%run_scoped3A : memref<!tpu.dma_semaphore, #tpu.memory_space<semaphore_mem>>) src(%dma_wait3A_56 : memref<256xi32, #tpu.memory_space<hbm>>) dst(%arg5 : memref<256xi32, #tpu.memory_space<vmem>>)
      tpu.yield
    }) : () -> ()
    %scan3A = arith.constant 0 : i32
    %scan3A_33 = arith.constant 0 : i32
    %scan3A_34 = arith.constant 16 : i32
    %scan3A_35 = arith.addi %scan3A_33, %scan3A_34 : i32
    %scan3A_36 = arith.constant 1 : i32
    scf.for %scan3A_51 = %scan3A_33 to %scan3A_35 step %scan3A_36  : i32 {
      %mul3A_52 = arith.constant 16 : i32
      %mul3A_53 = arith.muli %scan3A_51, %mul3A_52 : i32
      %get3A = arith.index_cast %mul3A_53 : i32 to index
      %get3A_54 = tpu.vector_load %arg5[%get3A] {strides = array<i32>} : memref<256xi32, #tpu.memory_space<vmem>>, vector<16xi32>,
      %slice3A = vector.extract_strided_slice %get3A_54 {offsets = [0], sizes = [1], strides = [1]} : vector<16xi32> to vector<1xi32>
      %squeeze3A = vector.extract %slice3A[0] : i32 from vector<1xi32>
      %mul3A_55 = arith.constant 16 : i32
      %mul3A_56 = arith.muli %scan3A_51, %mul3A_55 : i32
      %add3A_57 = arith.constant 0 : i32
      %add3A_58 = arith.addi %mul3A_56, %add3A_57 : i32
      %dma_start3A = arith.constant 0 : i32
      %dma_start3A_59 = tpu.memref_slice %arg6[%add3A_58, %dma_start3A] : memref<256x64xf32, #tpu.memory_space<vmem>> -> memref<1x64xf32, #tpu.memory_space<vmem>>
      %dma_start3A_60 = arith.constant 0 : i32
      %dma_start3A_61 = tpu.memref_slice %arg2[%squeeze3A, %dma_start3A_60] : memref<100000x64xf32, #tpu.memory_space<hbm>> -> memref<1x64xf32, #tpu.memory_space<hbm>>
      %dma_start3A_62 = arith.constant 0 : i32
      %dma_start3A_63 = tpu.memref_slice %arg6[%add3A_58, %dma_start3A_62] : memref<256x64xf32, #tpu.memory_space<vmem>> -> memref<1x64xf32, #tpu.memory_space<vmem>>
      %dma_start3A_64 = arith.constant 0 : i32
      %dma_start3A_65 = tpu.memref_slice %arg2[%squeeze3A, %dma_start3A_64] : memref<100000x64xf32, #tpu.memory_space<hbm>> -> memref<1x64xf32, #tpu.memory_space<hbm>>
      tpu.enqueue_dma source(%dma_start3A_65 : memref<1x64xf32, #tpu.memory_space<hbm>>) target(%dma_start3A_63 : memref<1x64xf32, #tpu.memory_space<vmem>>) target_semaphore(%arg7 : memref<!tpu.dma_semaphore, #tpu.memory_space<semaphore_mem>>)
      %slice3A_66 = vector.extract_strided_slice %get3A_54 {offsets = [1], sizes = [1], strides = [1]} : vector<16xi32> to vector<1xi32>
      %squeeze3A_67 = vector.extract %slice3A_66[0] : i32 from vector<1xi32>
      %mul3A_68 = arith.constant 16 : i32
      %mul3A_69 = arith.muli %scan3A_51, %mul3A_68 : i32
      %add3A_70 = arith.constant 1 : i32
      %add3A_71 = arith.addi %mul3A_69, %add3A_70 : i32
      %dma_start3A_72 = arith.constant 0 : i32
      %dma_start3A_73 = tpu.memref_slice %arg6[%add3A_71, %dma_start3A_72] : memref<256x64xf32, #tpu.memory_space<vmem>> -> memref<1x64xf32, #tpu.memory_space<vmem>>
      %dma_start3A_74 = arith.constant 0 : i32
      %dma_start3A_75 = tpu.memref_slice %arg2[%squeeze3A_67, %dma_start3A_74] : memref<100000x64xf32, #tpu.memory_space<hbm>> -> memref<1x64xf32, #tpu.memory_space<hbm>>
      %dma_start3A_76 = arith.constant 0 : i32
      %dma_start3A_77 = tpu.memref_slice %arg6[%add3A_71, %dma_start3A_76] : memref<256x64xf32, #tpu.memory_space<vmem>> -> memref<1x64xf32, #tpu.memory_space<vmem>>
      %dma_start3A_78 = arith.constant 0 : i32
      %dma_start3A_79 = tpu.memref_slice %arg2[%squeeze3A_67, %dma_start3A_78] : memref<100000x64xf32, #tpu.memory_space<hbm>> -> memref<1x64xf32, #tpu.memory_space<hbm>>
      tpu.enqueue_dma source(%dma_start3A_79 : memref<1x64xf32, #tpu.memory_space<hbm>>) target(%dma_start3A_77 : memref<1x64xf32, #tpu.memory_space<vmem>>) target_semaphore(%arg7 : memref<!tpu.dma_semaphore, #tpu.memory_space<semaphore_mem>>)
      %slice3A_80 = vector.extract_strided_slice %get3A_54 {offsets = [2], sizes = [1], strides = [1]} : vector<16xi32> to vector<1xi32>
      %squeeze3A_81 = vector.extract %slice3A_80[0] : i32 from vector<1xi32>
      %mul3A_82 = arith.constant 16 : i32
      %mul3A_83 = arith.muli %scan3A_51, %mul3A_82 : i32
      %add3A_84 = arith.constant 2 : i32
      %add3A_85 = arith.addi %mul3A_83, %add3A_84 : i32
      %dma_start3A_86 = arith.constant 0 : i32
      %dma_start3A_87 = tpu.memref_slice %arg6[%add3A_85, %dma_start3A_86] : memref<256x64xf32, #tpu.memory_space<vmem>> -> memref<1x64xf32, #tpu.memory_space<vmem>>
      %dma_start3A_88 = arith.constant 0 : i32
      %dma_start3A_89 = tpu.memref_slice %arg2[%squeeze3A_81, %dma_start3A_88] : memref<100000x64xf32, #tpu.memory_space<hbm>> -> memref<1x64xf32, #tpu.memory_space<hbm>>
      %dma_start3A_90 = arith.constant 0 : i32
      %dma_start3A_91 = tpu.memref_slice %arg6[%add3A_85, %dma_start3A_90] : memref<256x64xf32, #tpu.memory_space<vmem>> -> memref<1x64xf32, #tpu.memory_space<vmem>>
      %dma_start3A_92 = arith.constant 0 : i32
      %dma_start3A_93 = tpu.memref_slice %arg2[%squeeze3A_81, %dma_start3A_92] : memref<100000x64xf32, #tpu.memory_space<hbm>> -> memref<1x64xf32, #tpu.memory_space<hbm>>
      tpu.enqueue_dma source(%dma_start3A_93 : memref<1x64xf32, #tpu.memory_space<hbm>>) target(%dma_start3A_91 : memref<1x64xf32, #tpu.memory_space<vmem>>) target_semaphore(%arg7 : memref<!tpu.dma_semaphore, #tpu.memory_space<semaphore_mem>>)
      %slice3A_94 = vector.extract_strided_slice %get3A_54 {offsets = [3], sizes = [1], strides = [1]} : vector<16xi32> to vector<1xi32>
      %squeeze3A_95 = vector.extract %slice3A_94[0] : i32 from vector<1xi32>
      %mul3A_96 = arith.constant 16 : i32
      %mul3A_97 = arith.muli %scan3A_51, %mul3A_96 : i32
      %add3A_98 = arith.constant 3 : i32
      %add3A_99 = arith.addi %mul3A_97, %add3A_98 : i32
      %dma_start3A_100 = arith.constant 0 : i32
      %dma_start3A_101 = tpu.memref_slice %arg6[%add3A_99, %dma_start3A_100] : memref<256x64xf32, #tpu.memory_space<vmem>> -> memref<1x64xf32, #tpu.memory_space<vmem>>
      %dma_start3A_102 = arith.constant 0 : i32
      %dma_start3A_103 = tpu.memref_slice %arg2[%squeeze3A_95, %dma_start3A_102] : memref<100000x64xf32, #tpu.memory_space<hbm>> -> memref<1x64xf32, #tpu.memory_space<hbm>>
      %dma_start3A_104 = arith.constant 0 : i32
      %dma_start3A_105 = tpu.memref_slice %arg6[%add3A_99, %dma_start3A_104] : memref<256x64xf32, #tpu.memory_space<vmem>> -> memref<1x64xf32, #tpu.memory_space<vmem>>
      %dma_start3A_106 = arith.constant 0 : i32
      %dma_start3A_107 = tpu.memref_slice %arg2[%squeeze3A_95, %dma_start3A_106] : memref<100000x64xf32, #tpu.memory_space<hbm>> -> memref<1x64xf32, #tpu.memory_space<hbm>>
      tpu.enqueue_dma source(%dma_start3A_107 : memref<1x64xf32, #tpu.memory_space<hbm>>) target(%dma_start3A_105 : memref<1x64xf32, #tpu.memory_space<vmem>>) target_semaphore(%arg7 : memref<!tpu.dma_semaphore, #tpu.memory_space<semaphore_mem>>)
      %slice3A_108 = vector.extract_strided_slice %get3A_54 {offsets = [4], sizes = [1], strides = [1]} : vector<16xi32> to vector<1xi32>
      %squeeze3A_109 = vector.extract %slice3A_108[0] : i32 from vector<1xi32>
      %mul3A_110 = arith.constant 16 : i32
      %mul3A_111 = arith.muli %scan3A_51, %mul3A_110 : i32
      %add3A_112 = arith.constant 4 : i32
      %add3A_113 = arith.addi %mul3A_111, %add3A_112 : i32
      %dma_start3A_114 = arith.constant 0 : i32
      %dma_start3A_115 = tpu.memref_slice %arg6[%add3A_113, %dma_start3A_114] : memref<256x64xf32, #tpu.memory_space<vmem>> -> memref<1x64xf32, #tpu.memory_space<vmem>>
      %dma_start3A_116 = arith.constant 0 : i32
      %dma_start3A_117 = tpu.memref_slice %arg2[%squeeze3A_109, %dma_start3A_116] : memref<100000x64xf32, #tpu.memory_space<hbm>> -> memref<1x64xf32, #tpu.memory_space<hbm>>
      %dma_start3A_118 = arith.constant 0 : i32
      %dma_start3A_119 = tpu.memref_slice %arg6[%add3A_113, %dma_start3A_118] : memref<256x64xf32, #tpu.memory_space<vmem>> -> memref<1x64xf32, #tpu.memory_space<vmem>>
      %dma_start3A_120 = arith.constant 0 : i32
      %dma_start3A_121 = tpu.memref_slice %arg2[%squeeze3A_109, %dma_start3A_120] : memref<100000x64xf32, #tpu.memory_space<hbm>> -> memref<1x64xf32, #tpu.memory_space<hbm>>
      tpu.enqueue_dma source(%dma_start3A_121 : memref<1x64xf32, #tpu.memory_space<hbm>>) target(%dma_start3A_119 : memref<1x64xf32, #tpu.memory_space<vmem>>) target_semaphore(%arg7 : memref<!tpu.dma_semaphore, #tpu.memory_space<semaphore_mem>>)
      %slice3A_122 = vector.extract_strided_slice %get3A_54 {offsets = [5], sizes = [1], strides = [1]} : vector<16xi32> to vector<1xi32>
      %squeeze3A_123 = vector.extract %slice3A_122[0] : i32 from vector<1xi32>
      %mul3A_124 = arith.constant 16 : i32
      %mul3A_125 = arith.muli %scan3A_51, %mul3A_124 : i32
      %add3A_126 = arith.constant 5 : i32
      %add3A_127 = arith.addi %mul3A_125, %add3A_126 : i32
      %dma_start3A_128 = arith.constant 0 : i32
      %dma_start3A_129 = tpu.memref_slice %arg6[%add3A_127, %dma_start3A_128] : memref<256x64xf32, #tpu.memory_space<vmem>> -> memref<1x64xf32, #tpu.memory_space<vmem>>
      %dma_start3A_130 = arith.constant 0 : i32
      %dma_start3A_131 = tpu.memref_slice %arg2[%squeeze3A_123, %dma_start3A_130] : memref<100000x64xf32, #tpu.memory_space<hbm>> -> memref<1x64xf32, #tpu.memory_space<hbm>>
      %dma_start3A_132 = arith.constant 0 : i32
      %dma_start3A_133 = tpu.memref_slice %arg6[%add3A_127, %dma_start3A_132] : memref<256x64xf32, #tpu.memory_space<vmem>> -> memref<1x64xf32, #tpu.memory_space<vmem>>
      %dma_start3A_134 = arith.constant 0 : i32
      %dma_start3A_135 = tpu.memref_slice %arg2[%squeeze3A_123, %dma_start3A_134] : memref<100000x64xf32, #tpu.memory_space<hbm>> -> memref<1x64xf32, #tpu.memory_space<hbm>>
      tpu.enqueue_dma source(%dma_start3A_135 : memref<1x64xf32, #tpu.memory_space<hbm>>) target(%dma_start3A_133 : memref<1x64xf32, #tpu.memory_space<vmem>>) target_semaphore(%arg7 : memref<!tpu.dma_semaphore, #tpu.memory_space<semaphore_mem>>)
      %slice3A_136 = vector.extract_strided_slice %get3A_54 {offsets = [6], sizes = [1], strides = [1]} : vector<16xi32> to vector<1xi32>
      %squeeze3A_137 = vector.extract %slice3A_136[0] : i32 from vector<1xi32>
      %mul3A_138 = arith.constant 16 : i32
      %mul3A_139 = arith.muli %scan3A_51, %mul3A_138 : i32
      %add3A_140 = arith.constant 6 : i32
      %add3A_141 = arith.addi %mul3A_139, %add3A_140 : i32
      %dma_start3A_142 = arith.constant 0 : i32
      %dma_start3A_143 = tpu.memref_slice %arg6[%add3A_141, %dma_start3A_142] : memref<256x64xf32, #tpu.memory_space<vmem>> -> memref<1x64xf32, #tpu.memory_space<vmem>>
      %dma_start3A_144 = arith.constant 0 : i32
      %dma_start3A_145 = tpu.memref_slice %arg2[%squeeze3A_137, %dma_start3A_144] : memref<100000x64xf32, #tpu.memory_space<hbm>> -> memref<1x64xf32, #tpu.memory_space<hbm>>
      %dma_start3A_146 = arith.constant 0 : i32
      %dma_start3A_147 = tpu.memref_slice %arg6[%add3A_141, %dma_start3A_146] : memref<256x64xf32, #tpu.memory_space<vmem>> -> memref<1x64xf32, #tpu.memory_space<vmem>>
      %dma_start3A_148 = arith.constant 0 : i32
      %dma_start3A_149 = tpu.memref_slice %arg2[%squeeze3A_137, %dma_start3A_148] : memref<100000x64xf32, #tpu.memory_space<hbm>> -> memref<1x64xf32, #tpu.memory_space<hbm>>
      tpu.enqueue_dma source(%dma_start3A_149 : memref<1x64xf32, #tpu.memory_space<hbm>>) target(%dma_start3A_147 : memref<1x64xf32, #tpu.memory_space<vmem>>) target_semaphore(%arg7 : memref<!tpu.dma_semaphore, #tpu.memory_space<semaphore_mem>>)
      %slice3A_150 = vector.extract_strided_slice %get3A_54 {offsets = [7], sizes = [1], strides = [1]} : vector<16xi32> to vector<1xi32>
      %squeeze3A_151 = vector.extract %slice3A_150[0] : i32 from vector<1xi32>
      %mul3A_152 = arith.constant 16 : i32
      %mul3A_153 = arith.muli %scan3A_51, %mul3A_152 : i32
      %add3A_154 = arith.constant 7 : i32
      %add3A_155 = arith.addi %mul3A_153, %add3A_154 : i32
      %dma_start3A_156 = arith.constant 0 : i32
      %dma_start3A_157 = tpu.memref_slice %arg6[%add3A_155, %dma_start3A_156] : memref<256x64xf32, #tpu.memory_space<vmem>> -> memref<1x64xf32, #tpu.memory_space<vmem>>
      %dma_start3A_158 = arith.constant 0 : i32
      %dma_start3A_159 = tpu.memref_slice %arg2[%squeeze3A_151, %dma_start3A_158] : memref<100000x64xf32, #tpu.memory_space<hbm>> -> memref<1x64xf32, #tpu.memory_space<hbm>>
      %dma_start3A_160 = arith.constant 0 : i32
      %dma_start3A_161 = tpu.memref_slice %arg6[%add3A_155, %dma_start3A_160] : memref<256x64xf32, #tpu.memory_space<vmem>> -> memref<1x64xf32, #tpu.memory_space<vmem>>
      %dma_start3A_162 = arith.constant 0 : i32
      %dma_start3A_163 = tpu.memref_slice %arg2[%squeeze3A_151, %dma_start3A_162] : memref<100000x64xf32, #tpu.memory_space<hbm>> -> memref<1x64xf32, #tpu.memory_space<hbm>>
      tpu.enqueue_dma source(%dma_start3A_163 : memref<1x64xf32, #tpu.memory_space<hbm>>) target(%dma_start3A_161 : memref<1x64xf32, #tpu.memory_space<vmem>>) target_semaphore(%arg7 : memref<!tpu.dma_semaphore, #tpu.memory_space<semaphore_mem>>)
      %slice3A_164 = vector.extract_strided_slice %get3A_54 {offsets = [8], sizes = [1], strides = [1]} : vector<16xi32> to vector<1xi32>
      %squeeze3A_165 = vector.extract %slice3A_164[0] : i32 from vector<1xi32>
      %mul3A_166 = arith.constant 16 : i32
      %mul3A_167 = arith.muli %scan3A_51, %mul3A_166 : i32
      %add3A_168 = arith.constant 8 : i32
      %add3A_169 = arith.addi %mul3A_167, %add3A_168 : i32
      %dma_start3A_170 = arith.constant 0 : i32
      %dma_start3A_171 = tpu.memref_slice %arg6[%add3A_169, %dma_start3A_170] : memref<256x64xf32, #tpu.memory_space<vmem>> -> memref<1x64xf32, #tpu.memory_space<vmem>>
      %dma_start3A_172 = arith.constant 0 : i32
      %dma_start3A_173 = tpu.memref_slice %arg2[%squeeze3A_165, %dma_start3A_172] : memref<100000x64xf32, #tpu.memory_space<hbm>> -> memref<1x64xf32, #tpu.memory_space<hbm>>
      %dma_start3A_174 = arith.constant 0 : i32
      %dma_start3A_175 = tpu.memref_slice %arg6[%add3A_169, %dma_start3A_174] : memref<256x64xf32, #tpu.memory_space<vmem>> -> memref<1x64xf32, #tpu.memory_space<vmem>>
      %dma_start3A_176 = arith.constant 0 : i32
      %dma_start3A_177 = tpu.memref_slice %arg2[%squeeze3A_165, %dma_start3A_176] : memref<100000x64xf32, #tpu.memory_space<hbm>> -> memref<1x64xf32, #tpu.memory_space<hbm>>
      tpu.enqueue_dma source(%dma_start3A_177 : memref<1x64xf32, #tpu.memory_space<hbm>>) target(%dma_start3A_175 : memref<1x64xf32, #tpu.memory_space<vmem>>) target_semaphore(%arg7 : memref<!tpu.dma_semaphore, #tpu.memory_space<semaphore_mem>>)
      %slice3A_178 = vector.extract_strided_slice %get3A_54 {offsets = [9], sizes = [1], strides = [1]} : vector<16xi32> to vector<1xi32>
      %squeeze3A_179 = vector.extract %slice3A_178[0] : i32 from vector<1xi32>
      %mul3A_180 = arith.constant 16 : i32
      %mul3A_181 = arith.muli %scan3A_51, %mul3A_180 : i32
      %add3A_182 = arith.constant 9 : i32
      %add3A_183 = arith.addi %mul3A_181, %add3A_182 : i32
      %dma_start3A_184 = arith.constant 0 : i32
      %dma_start3A_185 = tpu.memref_slice %arg6[%add3A_183, %dma_start3A_184] : memref<256x64xf32, #tpu.memory_space<vmem>> -> memref<1x64xf32, #tpu.memory_space<vmem>>
      %dma_start3A_186 = arith.constant 0 : i32
      %dma_start3A_187 = tpu.memref_slice %arg2[%squeeze3A_179, %dma_start3A_186] : memref<100000x64xf32, #tpu.memory_space<hbm>> -> memref<1x64xf32, #tpu.memory_space<hbm>>
      %dma_start3A_188 = arith.constant 0 : i32
      %dma_start3A_189 = tpu.memref_slice %arg6[%add3A_183, %dma_start3A_188] : memref<256x64xf32, #tpu.memory_space<vmem>> -> memref<1x64xf32, #tpu.memory_space<vmem>>
      %dma_start3A_190 = arith.constant 0 : i32
      %dma_start3A_191 = tpu.memref_slice %arg2[%squeeze3A_179, %dma_start3A_190] : memref<100000x64xf32, #tpu.memory_space<hbm>> -> memref<1x64xf32, #tpu.memory_space<hbm>>
      tpu.enqueue_dma source(%dma_start3A_191 : memref<1x64xf32, #tpu.memory_space<hbm>>) target(%dma_start3A_189 : memref<1x64xf32, #tpu.memory_space<vmem>>) target_semaphore(%arg7 : memref<!tpu.dma_semaphore, #tpu.memory_space<semaphore_mem>>)
      %slice3A_192 = vector.extract_strided_slice %get3A_54 {offsets = [10], sizes = [1], strides = [1]} : vector<16xi32> to vector<1xi32>
      %squeeze3A_193 = vector.extract %slice3A_192[0] : i32 from vector<1xi32>
      %mul3A_194 = arith.constant 16 : i32
      %mul3A_195 = arith.muli %scan3A_51, %mul3A_194 : i32
      %add3A_196 = arith.constant 10 : i32
      %add3A_197 = arith.addi %mul3A_195, %add3A_196 : i32
      %dma_start3A_198 = arith.constant 0 : i32
      %dma_start3A_199 = tpu.memref_slice %arg6[%add3A_197, %dma_start3A_198] : memref<256x64xf32, #tpu.memory_space<vmem>> -> memref<1x64xf32, #tpu.memory_space<vmem>>
      %dma_start3A_200 = arith.constant 0 : i32
      %dma_start3A_201 = tpu.memref_slice %arg2[%squeeze3A_193, %dma_start3A_200] : memref<100000x64xf32, #tpu.memory_space<hbm>> -> memref<1x64xf32, #tpu.memory_space<hbm>>
      %dma_start3A_202 = arith.constant 0 : i32
      %dma_start3A_203 = tpu.memref_slice %arg6[%add3A_197, %dma_start3A_202] : memref<256x64xf32, #tpu.memory_space<vmem>> -> memref<1x64xf32, #tpu.memory_space<vmem>>
      %dma_start3A_204 = arith.constant 0 : i32
      %dma_start3A_205 = tpu.memref_slice %arg2[%squeeze3A_193, %dma_start3A_204] : memref<100000x64xf32, #tpu.memory_space<hbm>> -> memref<1x64xf32, #tpu.memory_space<hbm>>
      tpu.enqueue_dma source(%dma_start3A_205 : memref<1x64xf32, #tpu.memory_space<hbm>>) target(%dma_start3A_203 : memref<1x64xf32, #tpu.memory_space<vmem>>) target_semaphore(%arg7 : memref<!tpu.dma_semaphore, #tpu.memory_space<semaphore_mem>>)
      %slice3A_206 = vector.extract_strided_slice %get3A_54 {offsets = [11], sizes = [1], strides = [1]} : vector<16xi32> to vector<1xi32>
      %squeeze3A_207 = vector.extract %slice3A_206[0] : i32 from vector<1xi32>
      %mul3A_208 = arith.constant 16 : i32
      %mul3A_209 = arith.muli %scan3A_51, %mul3A_208 : i32
      %add3A_210 = arith.constant 11 : i32
      %add3A_211 = arith.addi %mul3A_209, %add3A_210 : i32
      %dma_start3A_212 = arith.constant 0 : i32
      %dma_start3A_213 = tpu.memref_slice %arg6[%add3A_211, %dma_start3A_212] : memref<256x64xf32, #tpu.memory_space<vmem>> -> memref<1x64xf32, #tpu.memory_space<vmem>>
      %dma_start3A_214 = arith.constant 0 : i32
      %dma_start3A_215 = tpu.memref_slice %arg2[%squeeze3A_207, %dma_start3A_214] : memref<100000x64xf32, #tpu.memory_space<hbm>> -> memref<1x64xf32, #tpu.memory_space<hbm>>
      %dma_start3A_216 = arith.constant 0 : i32
      %dma_start3A_217 = tpu.memref_slice %arg6[%add3A_211, %dma_start3A_216] : memref<256x64xf32, #tpu.memory_space<vmem>> -> memref<1x64xf32, #tpu.memory_space<vmem>>
      %dma_start3A_218 = arith.constant 0 : i32
      %dma_start3A_219 = tpu.memref_slice %arg2[%squeeze3A_207, %dma_start3A_218] : memref<100000x64xf32, #tpu.memory_space<hbm>> -> memref<1x64xf32, #tpu.memory_space<hbm>>
      tpu.enqueue_dma source(%dma_start3A_219 : memref<1x64xf32, #tpu.memory_space<hbm>>) target(%dma_start3A_217 : memref<1x64xf32, #tpu.memory_space<vmem>>) target_semaphore(%arg7 : memref<!tpu.dma_semaphore, #tpu.memory_space<semaphore_mem>>)
      %slice3A_220 = vector.extract_strided_slice %get3A_54 {offsets = [12], sizes = [1], strides = [1]} : vector<16xi32> to vector<1xi32>
      %squeeze3A_221 = vector.extract %slice3A_220[0] : i32 from vector<1xi32>
      %mul3A_222 = arith.constant 16 : i32
      %mul3A_223 = arith.muli %scan3A_51, %mul3A_222 : i32
      %add3A_224 = arith.constant 12 : i32
      %add3A_225 = arith.addi %mul3A_223, %add3A_224 : i32
      %dma_start3A_226 = arith.constant 0 : i32
      %dma_start3A_227 = tpu.memref_slice %arg6[%add3A_225, %dma_start3A_226] : memref<256x64xf32, #tpu.memory_space<vmem>> -> memref<1x64xf32, #tpu.memory_space<vmem>>
      %dma_start3A_228 = arith.constant 0 : i32
      %dma_start3A_229 = tpu.memref_slice %arg2[%squeeze3A_221, %dma_start3A_228] : memref<100000x64xf32, #tpu.memory_space<hbm>> -> memref<1x64xf32, #tpu.memory_space<hbm>>
      %dma_start3A_230 = arith.constant 0 : i32
      %dma_start3A_231 = tpu.memref_slice %arg6[%add3A_225, %dma_start3A_230] : memref<256x64xf32, #tpu.memory_space<vmem>> -> memref<1x64xf32, #tpu.memory_space<vmem>>
      %dma_start3A_232 = arith.constant 0 : i32
      %dma_start3A_233 = tpu.memref_slice %arg2[%squeeze3A_221, %dma_start3A_232] : memref<100000x64xf32, #tpu.memory_space<hbm>> -> memref<1x64xf32, #tpu.memory_space<hbm>>
      tpu.enqueue_dma source(%dma_start3A_233 : memref<1x64xf32, #tpu.memory_space<hbm>>) target(%dma_start3A_231 : memref<1x64xf32, #tpu.memory_space<vmem>>) target_semaphore(%arg7 : memref<!tpu.dma_semaphore, #tpu.memory_space<semaphore_mem>>)
      %slice3A_234 = vector.extract_strided_slice %get3A_54 {offsets = [13], sizes = [1], strides = [1]} : vector<16xi32> to vector<1xi32>
      %squeeze3A_235 = vector.extract %slice3A_234[0] : i32 from vector<1xi32>
      %mul3A_236 = arith.constant 16 : i32
      %mul3A_237 = arith.muli %scan3A_51, %mul3A_236 : i32
      %add3A_238 = arith.constant 13 : i32
      %add3A_239 = arith.addi %mul3A_237, %add3A_238 : i32
      %dma_start3A_240 = arith.constant 0 : i32
      %dma_start3A_241 = tpu.memref_slice %arg6[%add3A_239, %dma_start3A_240] : memref<256x64xf32, #tpu.memory_space<vmem>> -> memref<1x64xf32, #tpu.memory_space<vmem>>
      %dma_start3A_242 = arith.constant 0 : i32
      %dma_start3A_243 = tpu.memref_slice %arg2[%squeeze3A_235, %dma_start3A_242] : memref<100000x64xf32, #tpu.memory_space<hbm>> -> memref<1x64xf32, #tpu.memory_space<hbm>>
      %dma_start3A_244 = arith.constant 0 : i32
      %dma_start3A_245 = tpu.memref_slice %arg6[%add3A_239, %dma_start3A_244] : memref<256x64xf32, #tpu.memory_space<vmem>> -> memref<1x64xf32, #tpu.memory_space<vmem>>
      %dma_start3A_246 = arith.constant 0 : i32
      %dma_start3A_247 = tpu.memref_slice %arg2[%squeeze3A_235, %dma_start3A_246] : memref<100000x64xf32, #tpu.memory_space<hbm>> -> memref<1x64xf32, #tpu.memory_space<hbm>>
      tpu.enqueue_dma source(%dma_start3A_247 : memref<1x64xf32, #tpu.memory_space<hbm>>) target(%dma_start3A_245 : memref<1x64xf32, #tpu.memory_space<vmem>>) target_semaphore(%arg7 : memref<!tpu.dma_semaphore, #tpu.memory_space<semaphore_mem>>)
      %slice3A_248 = vector.extract_strided_slice %get3A_54 {offsets = [14], sizes = [1], strides = [1]} : vector<16xi32> to vector<1xi32>
      %squeeze3A_249 = vector.extract %slice3A_248[0] : i32 from vector<1xi32>
      %mul3A_250 = arith.constant 16 : i32
      %mul3A_251 = arith.muli %scan3A_51, %mul3A_250 : i32
      %add3A_252 = arith.constant 14 : i32
      %add3A_253 = arith.addi %mul3A_251, %add3A_252 : i32
      %dma_start3A_254 = arith.constant 0 : i32
      %dma_start3A_255 = tpu.memref_slice %arg6[%add3A_253, %dma_start3A_254] : memref<256x64xf32, #tpu.memory_space<vmem>> -> memref<1x64xf32, #tpu.memory_space<vmem>>
      %dma_start3A_256 = arith.constant 0 : i32
      %dma_start3A_257 = tpu.memref_slice %arg2[%squeeze3A_249, %dma_start3A_256] : memref<100000x64xf32, #tpu.memory_space<hbm>> -> memref<1x64xf32, #tpu.memory_space<hbm>>
      %dma_start3A_258 = arith.constant 0 : i32
      %dma_start3A_259 = tpu.memref_slice %arg6[%add3A_253, %dma_start3A_258] : memref<256x64xf32, #tpu.memory_space<vmem>> -> memref<1x64xf32, #tpu.memory_space<vmem>>
      %dma_start3A_260 = arith.constant 0 : i32
      %dma_start3A_261 = tpu.memref_slice %arg2[%squeeze3A_249, %dma_start3A_260] : memref<100000x64xf32, #tpu.memory_space<hbm>> -> memref<1x64xf32, #tpu.memory_space<hbm>>
      tpu.enqueue_dma source(%dma_start3A_261 : memref<1x64xf32, #tpu.memory_space<hbm>>) target(%dma_start3A_259 : memref<1x64xf32, #tpu.memory_space<vmem>>) target_semaphore(%arg7 : memref<!tpu.dma_semaphore, #tpu.memory_space<semaphore_mem>>)
      %slice3A_262 = vector.extract_strided_slice %get3A_54 {offsets = [15], sizes = [1], strides = [1]} : vector<16xi32> to vector<1xi32>
      %squeeze3A_263 = vector.extract %slice3A_262[0] : i32 from vector<1xi32>
      %mul3A_264 = arith.constant 16 : i32
      %mul3A_265 = arith.muli %scan3A_51, %mul3A_264 : i32
      %add3A_266 = arith.constant 15 : i32
      %add3A_267 = arith.addi %mul3A_265, %add3A_266 : i32
      %dma_start3A_268 = arith.constant 0 : i32
      %dma_start3A_269 = tpu.memref_slice %arg6[%add3A_267, %dma_start3A_268] : memref<256x64xf32, #tpu.memory_space<vmem>> -> memref<1x64xf32, #tpu.memory_space<vmem>>
      %dma_start3A_270 = arith.constant 0 : i32
      %dma_start3A_271 = tpu.memref_slice %arg2[%squeeze3A_263, %dma_start3A_270] : memref<100000x64xf32, #tpu.memory_space<hbm>> -> memref<1x64xf32, #tpu.memory_space<hbm>>
      %dma_start3A_272 = arith.constant 0 : i32
      %dma_start3A_273 = tpu.memref_slice %arg6[%add3A_267, %dma_start3A_272] : memref<256x64xf32, #tpu.memory_space<vmem>> -> memref<1x64xf32, #tpu.memory_space<vmem>>
      %dma_start3A_274 = arith.constant 0 : i32
      %dma_start3A_275 = tpu.memref_slice %arg2[%squeeze3A_263, %dma_start3A_274] : memref<100000x64xf32, #tpu.memory_space<hbm>> -> memref<1x64xf32, #tpu.memory_space<hbm>>
      tpu.enqueue_dma source(%dma_start3A_275 : memref<1x64xf32, #tpu.memory_space<hbm>>) target(%dma_start3A_273 : memref<1x64xf32, #tpu.memory_space<vmem>>) target_semaphore(%arg7 : memref<!tpu.dma_semaphore, #tpu.memory_space<semaphore_mem>>)
    }
    %scan3A_37 = arith.constant 16 : i32
    %scan3A_38 = arith.constant 0 : i32
    %scan3A_39 = arith.constant 0 : i32
    %scan3A_40 = arith.constant 16 : i32
    %scan3A_41 = arith.addi %scan3A_39, %scan3A_40 : i32
    %scan3A_42 = arith.constant 1 : i32
    scf.for %scan3A_51 = %scan3A_39 to %scan3A_41 step %scan3A_42  : i32 {
      %mul3A_52 = arith.constant 16 : i32
      %mul3A_53 = arith.muli %scan3A_51, %mul3A_52 : i32
      %add3A_54 = arith.constant 0 : i32
      %add3A_55 = arith.addi %mul3A_53, %add3A_54 : i32
      %dma_wait3A = arith.constant 0 : i32
      %dma_wait3A_56 = tpu.memref_slice %arg6[%add3A_55, %dma_wait3A] : memref<256x64xf32, #tpu.memory_space<vmem>> -> memref<1x64xf32, #tpu.memory_space<vmem>>
      %dma_wait3A_57 = arith.constant 0 : i32
      %dma_wait3A_58 = arith.constant 0 : i32
      %dma_wait3A_59 = tpu.memref_slice %arg2[%dma_wait3A_57, %dma_wait3A_58] : memref<100000x64xf32, #tpu.memory_space<hbm>> -> memref<1x64xf32, #tpu.memory_space<hbm>>
      %dma_wait3A_60 = arith.constant 0 : i32
      %dma_wait3A_61 = tpu.memref_slice %arg6[%add3A_55, %dma_wait3A_60] : memref<256x64xf32, #tpu.memory_space<vmem>> -> memref<1x64xf32, #tpu.memory_space<vmem>>
      %dma_wait3A_62 = arith.constant 0 : i32
      %dma_wait3A_63 = arith.constant 0 : i32
      %dma_wait3A_64 = tpu.memref_slice %arg2[%dma_wait3A_62, %dma_wait3A_63] : memref<100000x64xf32, #tpu.memory_space<hbm>> -> memref<1x64xf32, #tpu.memory_space<hbm>>
      tpu.wait_dma2 semaphore(%arg7 : memref<!tpu.dma_semaphore, #tpu.memory_space<semaphore_mem>>) src(%dma_wait3A_64 : memref<1x64xf32, #tpu.memory_space<hbm>>) dst(%dma_wait3A_61 : memref<1x64xf32, #tpu.memory_space<vmem>>)
      %mul3A_65 = arith.constant 16 : i32
      %mul3A_66 = arith.muli %scan3A_51, %mul3A_65 : i32
      %add3A_67 = arith.constant 1 : i32
      %add3A_68 = arith.addi %mul3A_66, %add3A_67 : i32
      %dma_wait3A_69 = arith.constant 0 : i32
      %dma_wait3A_70 = tpu.memref_slice %arg6[%add3A_68, %dma_wait3A_69] : memref<256x64xf32, #tpu.memory_space<vmem>> -> memref<1x64xf32, #tpu.memory_space<vmem>>
      %dma_wait3A_71 = arith.constant 0 : i32
      %dma_wait3A_72 = arith.constant 0 : i32
      %dma_wait3A_73 = tpu.memref_slice %arg2[%dma_wait3A_71, %dma_wait3A_72] : memref<100000x64xf32, #tpu.memory_space<hbm>> -> memref<1x64xf32, #tpu.memory_space<hbm>>
      %dma_wait3A_74 = arith.constant 0 : i32
      %dma_wait3A_75 = tpu.memref_slice %arg6[%add3A_68, %dma_wait3A_74] : memref<256x64xf32, #tpu.memory_space<vmem>> -> memref<1x64xf32, #tpu.memory_space<vmem>>
      %dma_wait3A_76 = arith.constant 0 : i32
      %dma_wait3A_77 = arith.constant 0 : i32
      %dma_wait3A_78 = tpu.memref_slice %arg2[%dma_wait3A_76, %dma_wait3A_77] : memref<100000x64xf32, #tpu.memory_space<hbm>> -> memref<1x64xf32, #tpu.memory_space<hbm>>
      tpu.wait_dma2 semaphore(%arg7 : memref<!tpu.dma_semaphore, #tpu.memory_space<semaphore_mem>>) src(%dma_wait3A_78 : memref<1x64xf32, #tpu.memory_space<hbm>>) dst(%dma_wait3A_75 : memref<1x64xf32, #tpu.memory_space<vmem>>)
      %mul3A_79 = arith.constant 16 : i32
      %mul3A_80 = arith.muli %scan3A_51, %mul3A_79 : i32
      %add3A_81 = arith.constant 2 : i32
      %add3A_82 = arith.addi %mul3A_80, %add3A_81 : i32
      %dma_wait3A_83 = arith.constant 0 : i32
      %dma_wait3A_84 = tpu.memref_slice %arg6[%add3A_82, %dma_wait3A_83] : memref<256x64xf32, #tpu.memory_space<vmem>> -> memref<1x64xf32, #tpu.memory_space<vmem>>
      %dma_wait3A_85 = arith.constant 0 : i32
      %dma_wait3A_86 = arith.constant 0 : i32
      %dma_wait3A_87 = tpu.memref_slice %arg2[%dma_wait3A_85, %dma_wait3A_86] : memref<100000x64xf32, #tpu.memory_space<hbm>> -> memref<1x64xf32, #tpu.memory_space<hbm>>
      %dma_wait3A_88 = arith.constant 0 : i32
      %dma_wait3A_89 = tpu.memref_slice %arg6[%add3A_82, %dma_wait3A_88] : memref<256x64xf32, #tpu.memory_space<vmem>> -> memref<1x64xf32, #tpu.memory_space<vmem>>
      %dma_wait3A_90 = arith.constant 0 : i32
      %dma_wait3A_91 = arith.constant 0 : i32
      %dma_wait3A_92 = tpu.memref_slice %arg2[%dma_wait3A_90, %dma_wait3A_91] : memref<100000x64xf32, #tpu.memory_space<hbm>> -> memref<1x64xf32, #tpu.memory_space<hbm>>
      tpu.wait_dma2 semaphore(%arg7 : memref<!tpu.dma_semaphore, #tpu.memory_space<semaphore_mem>>) src(%dma_wait3A_92 : memref<1x64xf32, #tpu.memory_space<hbm>>) dst(%dma_wait3A_89 : memref<1x64xf32, #tpu.memory_space<vmem>>)
      %mul3A_93 = arith.constant 16 : i32
      %mul3A_94 = arith.muli %scan3A_51, %mul3A_93 : i32
      %add3A_95 = arith.constant 3 : i32
      %add3A_96 = arith.addi %mul3A_94, %add3A_95 : i32
      %dma_wait3A_97 = arith.constant 0 : i32
      %dma_wait3A_98 = tpu.memref_slice %arg6[%add3A_96, %dma_wait3A_97] : memref<256x64xf32, #tpu.memory_space<vmem>> -> memref<1x64xf32, #tpu.memory_space<vmem>>
      %dma_wait3A_99 = arith.constant 0 : i32
      %dma_wait3A_100 = arith.constant 0 : i32
      %dma_wait3A_101 = tpu.memref_slice %arg2[%dma_wait3A_99, %dma_wait3A_100] : memref<100000x64xf32, #tpu.memory_space<hbm>> -> memref<1x64xf32, #tpu.memory_space<hbm>>
      %dma_wait3A_102 = arith.constant 0 : i32
      %dma_wait3A_103 = tpu.memref_slice %arg6[%add3A_96, %dma_wait3A_102] : memref<256x64xf32, #tpu.memory_space<vmem>> -> memref<1x64xf32, #tpu.memory_space<vmem>>
      %dma_wait3A_104 = arith.constant 0 : i32
      %dma_wait3A_105 = arith.constant 0 : i32
      %dma_wait3A_106 = tpu.memref_slice %arg2[%dma_wait3A_104, %dma_wait3A_105] : memref<100000x64xf32, #tpu.memory_space<hbm>> -> memref<1x64xf32, #tpu.memory_space<hbm>>
      tpu.wait_dma2 semaphore(%arg7 : memref<!tpu.dma_semaphore, #tpu.memory_space<semaphore_mem>>) src(%dma_wait3A_106 : memref<1x64xf32, #tpu.memory_space<hbm>>) dst(%dma_wait3A_103 : memref<1x64xf32, #tpu.memory_space<vmem>>)
      %mul3A_107 = arith.constant 16 : i32
      %mul3A_108 = arith.muli %scan3A_51, %mul3A_107 : i32
      %add3A_109 = arith.constant 4 : i32
      %add3A_110 = arith.addi %mul3A_108, %add3A_109 : i32
      %dma_wait3A_111 = arith.constant 0 : i32
      %dma_wait3A_112 = tpu.memref_slice %arg6[%add3A_110, %dma_wait3A_111] : memref<256x64xf32, #tpu.memory_space<vmem>> -> memref<1x64xf32, #tpu.memory_space<vmem>>
      %dma_wait3A_113 = arith.constant 0 : i32
      %dma_wait3A_114 = arith.constant 0 : i32
      %dma_wait3A_115 = tpu.memref_slice %arg2[%dma_wait3A_113, %dma_wait3A_114] : memref<100000x64xf32, #tpu.memory_space<hbm>> -> memref<1x64xf32, #tpu.memory_space<hbm>>
      %dma_wait3A_116 = arith.constant 0 : i32
      %dma_wait3A_117 = tpu.memref_slice %arg6[%add3A_110, %dma_wait3A_116] : memref<256x64xf32, #tpu.memory_space<vmem>> -> memref<1x64xf32, #tpu.memory_space<vmem>>
      %dma_wait3A_118 = arith.constant 0 : i32
      %dma_wait3A_119 = arith.constant 0 : i32
      %dma_wait3A_120 = tpu.memref_slice %arg2[%dma_wait3A_118, %dma_wait3A_119] : memref<100000x64xf32, #tpu.memory_space<hbm>> -> memref<1x64xf32, #tpu.memory_space<hbm>>
      tpu.wait_dma2 semaphore(%arg7 : memref<!tpu.dma_semaphore, #tpu.memory_space<semaphore_mem>>) src(%dma_wait3A_120 : memref<1x64xf32, #tpu.memory_space<hbm>>) dst(%dma_wait3A_117 : memref<1x64xf32, #tpu.memory_space<vmem>>)
      %mul3A_121 = arith.constant 16 : i32
      %mul3A_122 = arith.muli %scan3A_51, %mul3A_121 : i32
      %add3A_123 = arith.constant 5 : i32
      %add3A_124 = arith.addi %mul3A_122, %add3A_123 : i32
      %dma_wait3A_125 = arith.constant 0 : i32
      %dma_wait3A_126 = tpu.memref_slice %arg6[%add3A_124, %dma_wait3A_125] : memref<256x64xf32, #tpu.memory_space<vmem>> -> memref<1x64xf32, #tpu.memory_space<vmem>>
      %dma_wait3A_127 = arith.constant 0 : i32
      %dma_wait3A_128 = arith.constant 0 : i32
      %dma_wait3A_129 = tpu.memref_slice %arg2[%dma_wait3A_127, %dma_wait3A_128] : memref<100000x64xf32, #tpu.memory_space<hbm>> -> memref<1x64xf32, #tpu.memory_space<hbm>>
      %dma_wait3A_130 = arith.constant 0 : i32
      %dma_wait3A_131 = tpu.memref_slice %arg6[%add3A_124, %dma_wait3A_130] : memref<256x64xf32, #tpu.memory_space<vmem>> -> memref<1x64xf32, #tpu.memory_space<vmem>>
      %dma_wait3A_132 = arith.constant 0 : i32
      %dma_wait3A_133 = arith.constant 0 : i32
      %dma_wait3A_134 = tpu.memref_slice %arg2[%dma_wait3A_132, %dma_wait3A_133] : memref<100000x64xf32, #tpu.memory_space<hbm>> -> memref<1x64xf32, #tpu.memory_space<hbm>>
      tpu.wait_dma2 semaphore(%arg7 : memref<!tpu.dma_semaphore, #tpu.memory_space<semaphore_mem>>) src(%dma_wait3A_134 : memref<1x64xf32, #tpu.memory_space<hbm>>) dst(%dma_wait3A_131 : memref<1x64xf32, #tpu.memory_space<vmem>>)
      %mul3A_135 = arith.constant 16 : i32
      %mul3A_136 = arith.muli %scan3A_51, %mul3A_135 : i32
      %add3A_137 = arith.constant 6 : i32
      %add3A_138 = arith.addi %mul3A_136, %add3A_137 : i32
      %dma_wait3A_139 = arith.constant 0 : i32
      %dma_wait3A_140 = tpu.memref_slice %arg6[%add3A_138, %dma_wait3A_139] : memref<256x64xf32, #tpu.memory_space<vmem>> -> memref<1x64xf32, #tpu.memory_space<vmem>>
      %dma_wait3A_141 = arith.constant 0 : i32
      %dma_wait3A_142 = arith.constant 0 : i32
      %dma_wait3A_143 = tpu.memref_slice %arg2[%dma_wait3A_141, %dma_wait3A_142] : memref<100000x64xf32, #tpu.memory_space<hbm>> -> memref<1x64xf32, #tpu.memory_space<hbm>>
      %dma_wait3A_144 = arith.constant 0 : i32
      %dma_wait3A_145 = tpu.memref_slice %arg6[%add3A_138, %dma_wait3A_144] : memref<256x64xf32, #tpu.memory_space<vmem>> -> memref<1x64xf32, #tpu.memory_space<vmem>>
      %dma_wait3A_146 = arith.constant 0 : i32
      %dma_wait3A_147 = arith.constant 0 : i32
      %dma_wait3A_148 = tpu.memref_slice %arg2[%dma_wait3A_146, %dma_wait3A_147] : memref<100000x64xf32, #tpu.memory_space<hbm>> -> memref<1x64xf32, #tpu.memory_space<hbm>>
      tpu.wait_dma2 semaphore(%arg7 : memref<!tpu.dma_semaphore, #tpu.memory_space<semaphore_mem>>) src(%dma_wait3A_148 : memref<1x64xf32, #tpu.memory_space<hbm>>) dst(%dma_wait3A_145 : memref<1x64xf32, #tpu.memory_space<vmem>>)
      %mul3A_149 = arith.constant 16 : i32
      %mul3A_150 = arith.muli %scan3A_51, %mul3A_149 : i32
      %add3A_151 = arith.constant 7 : i32
      %add3A_152 = arith.addi %mul3A_150, %add3A_151 : i32
      %dma_wait3A_153 = arith.constant 0 : i32
      %dma_wait3A_154 = tpu.memref_slice %arg6[%add3A_152, %dma_wait3A_153] : memref<256x64xf32, #tpu.memory_space<vmem>> -> memref<1x64xf32, #tpu.memory_space<vmem>>
      %dma_wait3A_155 = arith.constant 0 : i32
      %dma_wait3A_156 = arith.constant 0 : i32
      %dma_wait3A_157 = tpu.memref_slice %arg2[%dma_wait3A_155, %dma_wait3A_156] : memref<100000x64xf32, #tpu.memory_space<hbm>> -> memref<1x64xf32, #tpu.memory_space<hbm>>
      %dma_wait3A_158 = arith.constant 0 : i32
      %dma_wait3A_159 = tpu.memref_slice %arg6[%add3A_152, %dma_wait3A_158] : memref<256x64xf32, #tpu.memory_space<vmem>> -> memref<1x64xf32, #tpu.memory_space<vmem>>
      %dma_wait3A_160 = arith.constant 0 : i32
      %dma_wait3A_161 = arith.constant 0 : i32
      %dma_wait3A_162 = tpu.memref_slice %arg2[%dma_wait3A_160, %dma_wait3A_161] : memref<100000x64xf32, #tpu.memory_space<hbm>> -> memref<1x64xf32, #tpu.memory_space<hbm>>
      tpu.wait_dma2 semaphore(%arg7 : memref<!tpu.dma_semaphore, #tpu.memory_space<semaphore_mem>>) src(%dma_wait3A_162 : memref<1x64xf32, #tpu.memory_space<hbm>>) dst(%dma_wait3A_159 : memref<1x64xf32, #tpu.memory_space<vmem>>)
      %mul3A_163 = arith.constant 16 : i32
      %mul3A_164 = arith.muli %scan3A_51, %mul3A_163 : i32
      %add3A_165 = arith.constant 8 : i32
      %add3A_166 = arith.addi %mul3A_164, %add3A_165 : i32
      %dma_wait3A_167 = arith.constant 0 : i32
      %dma_wait3A_168 = tpu.memref_slice %arg6[%add3A_166, %dma_wait3A_167] : memref<256x64xf32, #tpu.memory_space<vmem>> -> memref<1x64xf32, #tpu.memory_space<vmem>>
      %dma_wait3A_169 = arith.constant 0 : i32
      %dma_wait3A_170 = arith.constant 0 : i32
      %dma_wait3A_171 = tpu.memref_slice %arg2[%dma_wait3A_169, %dma_wait3A_170] : memref<100000x64xf32, #tpu.memory_space<hbm>> -> memref<1x64xf32, #tpu.memory_space<hbm>>
      %dma_wait3A_172 = arith.constant 0 : i32
      %dma_wait3A_173 = tpu.memref_slice %arg6[%add3A_166, %dma_wait3A_172] : memref<256x64xf32, #tpu.memory_space<vmem>> -> memref<1x64xf32, #tpu.memory_space<vmem>>
      %dma_wait3A_174 = arith.constant 0 : i32
      %dma_wait3A_175 = arith.constant 0 : i32
      %dma_wait3A_176 = tpu.memref_slice %arg2[%dma_wait3A_174, %dma_wait3A_175] : memref<100000x64xf32, #tpu.memory_space<hbm>> -> memref<1x64xf32, #tpu.memory_space<hbm>>
      tpu.wait_dma2 semaphore(%arg7 : memref<!tpu.dma_semaphore, #tpu.memory_space<semaphore_mem>>) src(%dma_wait3A_176 : memref<1x64xf32, #tpu.memory_space<hbm>>) dst(%dma_wait3A_173 : memref<1x64xf32, #tpu.memory_space<vmem>>)
      %mul3A_177 = arith.constant 16 : i32
      %mul3A_178 = arith.muli %scan3A_51, %mul3A_177 : i32
      %add3A_179 = arith.constant 9 : i32
      %add3A_180 = arith.addi %mul3A_178, %add3A_179 : i32
      %dma_wait3A_181 = arith.constant 0 : i32
      %dma_wait3A_182 = tpu.memref_slice %arg6[%add3A_180, %dma_wait3A_181] : memref<256x64xf32, #tpu.memory_space<vmem>> -> memref<1x64xf32, #tpu.memory_space<vmem>>
      %dma_wait3A_183 = arith.constant 0 : i32
      %dma_wait3A_184 = arith.constant 0 : i32
      %dma_wait3A_185 = tpu.memref_slice %arg2[%dma_wait3A_183, %dma_wait3A_184] : memref<100000x64xf32, #tpu.memory_space<hbm>> -> memref<1x64xf32, #tpu.memory_space<hbm>>
      %dma_wait3A_186 = arith.constant 0 : i32
      %dma_wait3A_187 = tpu.memref_slice %arg6[%add3A_180, %dma_wait3A_186] : memref<256x64xf32, #tpu.memory_space<vmem>> -> memref<1x64xf32, #tpu.memory_space<vmem>>
      %dma_wait3A_188 = arith.constant 0 : i32
      %dma_wait3A_189 = arith.constant 0 : i32
      %dma_wait3A_190 = tpu.memref_slice %arg2[%dma_wait3A_188, %dma_wait3A_189] : memref<100000x64xf32, #tpu.memory_space<hbm>> -> memref<1x64xf32, #tpu.memory_space<hbm>>
      tpu.wait_dma2 semaphore(%arg7 : memref<!tpu.dma_semaphore, #tpu.memory_space<semaphore_mem>>) src(%dma_wait3A_190 : memref<1x64xf32, #tpu.memory_space<hbm>>) dst(%dma_wait3A_187 : memref<1x64xf32, #tpu.memory_space<vmem>>)
      %mul3A_191 = arith.constant 16 : i32
      %mul3A_192 = arith.muli %scan3A_51, %mul3A_191 : i32
      %add3A_193 = arith.constant 10 : i32
      %add3A_194 = arith.addi %mul3A_192, %add3A_193 : i32
      %dma_wait3A_195 = arith.constant 0 : i32
      %dma_wait3A_196 = tpu.memref_slice %arg6[%add3A_194, %dma_wait3A_195] : memref<256x64xf32, #tpu.memory_space<vmem>> -> memref<1x64xf32, #tpu.memory_space<vmem>>
      %dma_wait3A_197 = arith.constant 0 : i32
      %dma_wait3A_198 = arith.constant 0 : i32
      %dma_wait3A_199 = tpu.memref_slice %arg2[%dma_wait3A_197, %dma_wait3A_198] : memref<100000x64xf32, #tpu.memory_space<hbm>> -> memref<1x64xf32, #tpu.memory_space<hbm>>
      %dma_wait3A_200 = arith.constant 0 : i32
      %dma_wait3A_201 = tpu.memref_slice %arg6[%add3A_194, %dma_wait3A_200] : memref<256x64xf32, #tpu.memory_space<vmem>> -> memref<1x64xf32, #tpu.memory_space<vmem>>
      %dma_wait3A_202 = arith.constant 0 : i32
      %dma_wait3A_203 = arith.constant 0 : i32
      %dma_wait3A_204 = tpu.memref_slice %arg2[%dma_wait3A_202, %dma_wait3A_203] : memref<100000x64xf32, #tpu.memory_space<hbm>> -> memref<1x64xf32, #tpu.memory_space<hbm>>
      tpu.wait_dma2 semaphore(%arg7 : memref<!tpu.dma_semaphore, #tpu.memory_space<semaphore_mem>>) src(%dma_wait3A_204 : memref<1x64xf32, #tpu.memory_space<hbm>>) dst(%dma_wait3A_201 : memref<1x64xf32, #tpu.memory_space<vmem>>)
      %mul3A_205 = arith.constant 16 : i32
      %mul3A_206 = arith.muli %scan3A_51, %mul3A_205 : i32
      %add3A_207 = arith.constant 11 : i32
      %add3A_208 = arith.addi %mul3A_206, %add3A_207 : i32
      %dma_wait3A_209 = arith.constant 0 : i32
      %dma_wait3A_210 = tpu.memref_slice %arg6[%add3A_208, %dma_wait3A_209] : memref<256x64xf32, #tpu.memory_space<vmem>> -> memref<1x64xf32, #tpu.memory_space<vmem>>
      %dma_wait3A_211 = arith.constant 0 : i32
      %dma_wait3A_212 = arith.constant 0 : i32
      %dma_wait3A_213 = tpu.memref_slice %arg2[%dma_wait3A_211, %dma_wait3A_212] : memref<100000x64xf32, #tpu.memory_space<hbm>> -> memref<1x64xf32, #tpu.memory_space<hbm>>
      %dma_wait3A_214 = arith.constant 0 : i32
      %dma_wait3A_215 = tpu.memref_slice %arg6[%add3A_208, %dma_wait3A_214] : memref<256x64xf32, #tpu.memory_space<vmem>> -> memref<1x64xf32, #tpu.memory_space<vmem>>
      %dma_wait3A_216 = arith.constant 0 : i32
      %dma_wait3A_217 = arith.constant 0 : i32
      %dma_wait3A_218 = tpu.memref_slice %arg2[%dma_wait3A_216, %dma_wait3A_217] : memref<100000x64xf32, #tpu.memory_space<hbm>> -> memref<1x64xf32, #tpu.memory_space<hbm>>
      tpu.wait_dma2 semaphore(%arg7 : memref<!tpu.dma_semaphore, #tpu.memory_space<semaphore_mem>>) src(%dma_wait3A_218 : memref<1x64xf32, #tpu.memory_space<hbm>>) dst(%dma_wait3A_215 : memref<1x64xf32, #tpu.memory_space<vmem>>)
      %mul3A_219 = arith.constant 16 : i32
      %mul3A_220 = arith.muli %scan3A_51, %mul3A_219 : i32
      %add3A_221 = arith.constant 12 : i32
      %add3A_222 = arith.addi %mul3A_220, %add3A_221 : i32
      %dma_wait3A_223 = arith.constant 0 : i32
      %dma_wait3A_224 = tpu.memref_slice %arg6[%add3A_222, %dma_wait3A_223] : memref<256x64xf32, #tpu.memory_space<vmem>> -> memref<1x64xf32, #tpu.memory_space<vmem>>
      %dma_wait3A_225 = arith.constant 0 : i32
      %dma_wait3A_226 = arith.constant 0 : i32
      %dma_wait3A_227 = tpu.memref_slice %arg2[%dma_wait3A_225, %dma_wait3A_226] : memref<100000x64xf32, #tpu.memory_space<hbm>> -> memref<1x64xf32, #tpu.memory_space<hbm>>
      %dma_wait3A_228 = arith.constant 0 : i32
      %dma_wait3A_229 = tpu.memref_slice %arg6[%add3A_222, %dma_wait3A_228] : memref<256x64xf32, #tpu.memory_space<vmem>> -> memref<1x64xf32, #tpu.memory_space<vmem>>
      %dma_wait3A_230 = arith.constant 0 : i32
      %dma_wait3A_231 = arith.constant 0 : i32
      %dma_wait3A_232 = tpu.memref_slice %arg2[%dma_wait3A_230, %dma_wait3A_231] : memref<100000x64xf32, #tpu.memory_space<hbm>> -> memref<1x64xf32, #tpu.memory_space<hbm>>
      tpu.wait_dma2 semaphore(%arg7 : memref<!tpu.dma_semaphore, #tpu.memory_space<semaphore_mem>>) src(%dma_wait3A_232 : memref<1x64xf32, #tpu.memory_space<hbm>>) dst(%dma_wait3A_229 : memref<1x64xf32, #tpu.memory_space<vmem>>)
      %mul3A_233 = arith.constant 16 : i32
      %mul3A_234 = arith.muli %scan3A_51, %mul3A_233 : i32
      %add3A_235 = arith.constant 13 : i32
      %add3A_236 = arith.addi %mul3A_234, %add3A_235 : i32
      %dma_wait3A_237 = arith.constant 0 : i32
      %dma_wait3A_238 = tpu.memref_slice %arg6[%add3A_236, %dma_wait3A_237] : memref<256x64xf32, #tpu.memory_space<vmem>> -> memref<1x64xf32, #tpu.memory_space<vmem>>
      %dma_wait3A_239 = arith.constant 0 : i32
      %dma_wait3A_240 = arith.constant 0 : i32
      %dma_wait3A_241 = tpu.memref_slice %arg2[%dma_wait3A_239, %dma_wait3A_240] : memref<100000x64xf32, #tpu.memory_space<hbm>> -> memref<1x64xf32, #tpu.memory_space<hbm>>
      %dma_wait3A_242 = arith.constant 0 : i32
      %dma_wait3A_243 = tpu.memref_slice %arg6[%add3A_236, %dma_wait3A_242] : memref<256x64xf32, #tpu.memory_space<vmem>> -> memref<1x64xf32, #tpu.memory_space<vmem>>
      %dma_wait3A_244 = arith.constant 0 : i32
      %dma_wait3A_245 = arith.constant 0 : i32
      %dma_wait3A_246 = tpu.memref_slice %arg2[%dma_wait3A_244, %dma_wait3A_245] : memref<100000x64xf32, #tpu.memory_space<hbm>> -> memref<1x64xf32, #tpu.memory_space<hbm>>
      tpu.wait_dma2 semaphore(%arg7 : memref<!tpu.dma_semaphore, #tpu.memory_space<semaphore_mem>>) src(%dma_wait3A_246 : memref<1x64xf32, #tpu.memory_space<hbm>>) dst(%dma_wait3A_243 : memref<1x64xf32, #tpu.memory_space<vmem>>)
      %mul3A_247 = arith.constant 16 : i32
      %mul3A_248 = arith.muli %scan3A_51, %mul3A_247 : i32
      %add3A_249 = arith.constant 14 : i32
      %add3A_250 = arith.addi %mul3A_248, %add3A_249 : i32
      %dma_wait3A_251 = arith.constant 0 : i32
      %dma_wait3A_252 = tpu.memref_slice %arg6[%add3A_250, %dma_wait3A_251] : memref<256x64xf32, #tpu.memory_space<vmem>> -> memref<1x64xf32, #tpu.memory_space<vmem>>
      %dma_wait3A_253 = arith.constant 0 : i32
      %dma_wait3A_254 = arith.constant 0 : i32
      %dma_wait3A_255 = tpu.memref_slice %arg2[%dma_wait3A_253, %dma_wait3A_254] : memref<100000x64xf32, #tpu.memory_space<hbm>> -> memref<1x64xf32, #tpu.memory_space<hbm>>
      %dma_wait3A_256 = arith.constant 0 : i32
      %dma_wait3A_257 = tpu.memref_slice %arg6[%add3A_250, %dma_wait3A_256] : memref<256x64xf32, #tpu.memory_space<vmem>> -> memref<1x64xf32, #tpu.memory_space<vmem>>
      %dma_wait3A_258 = arith.constant 0 : i32
      %dma_wait3A_259 = arith.constant 0 : i32
      %dma_wait3A_260 = tpu.memref_slice %arg2[%dma_wait3A_258, %dma_wait3A_259] : memref<100000x64xf32, #tpu.memory_space<hbm>> -> memref<1x64xf32, #tpu.memory_space<hbm>>
      tpu.wait_dma2 semaphore(%arg7 : memref<!tpu.dma_semaphore, #tpu.memory_space<semaphore_mem>>) src(%dma_wait3A_260 : memref<1x64xf32, #tpu.memory_space<hbm>>) dst(%dma_wait3A_257 : memref<1x64xf32, #tpu.memory_space<vmem>>)
      %mul3A_261 = arith.constant 16 : i32
      %mul3A_262 = arith.muli %scan3A_51, %mul3A_261 : i32
      %add3A_263 = arith.constant 15 : i32
      %add3A_264 = arith.addi %mul3A_262, %add3A_263 : i32
      %dma_wait3A_265 = arith.constant 0 : i32
      %dma_wait3A_266 = tpu.memref_slice %arg6[%add3A_264, %dma_wait3A_265] : memref<256x64xf32, #tpu.memory_space<vmem>> -> memref<1x64xf32, #tpu.memory_space<vmem>>
      %dma_wait3A_267 = arith.constant 0 : i32
      %dma_wait3A_268 = arith.constant 0 : i32
      %dma_wait3A_269 = tpu.memref_slice %arg2[%dma_wait3A_267, %dma_wait3A_268] : memref<100000x64xf32, #tpu.memory_space<hbm>> -> memref<1x64xf32, #tpu.memory_space<hbm>>
      %dma_wait3A_270 = arith.constant 0 : i32
      %dma_wait3A_271 = tpu.memref_slice %arg6[%add3A_264, %dma_wait3A_270] : memref<256x64xf32, #tpu.memory_space<vmem>> -> memref<1x64xf32, #tpu.memory_space<vmem>>
      %dma_wait3A_272 = arith.constant 0 : i32
      %dma_wait3A_273 = arith.constant 0 : i32
      %dma_wait3A_274 = tpu.memref_slice %arg2[%dma_wait3A_272, %dma_wait3A_273] : memref<100000x64xf32, #tpu.memory_space<hbm>> -> memref<1x64xf32, #tpu.memory_space<hbm>>
      tpu.wait_dma2 semaphore(%arg7 : memref<!tpu.dma_semaphore, #tpu.memory_space<semaphore_mem>>) src(%dma_wait3A_274 : memref<1x64xf32, #tpu.memory_space<hbm>>) dst(%dma_wait3A_271 : memref<1x64xf32, #tpu.memory_space<vmem>>)
    }
    %scan3A_43 = arith.constant 16 : i32
    %broadcast_in_dim3A = arith.constant 0.000000e+00 : f32
    %broadcast_in_dim3A_44 = vector.broadcast %broadcast_in_dim3A : f32 to vector<16xf32>
    %scan3A_45 = arith.constant 0 : i32
    %scan3A_46 = arith.constant 0 : i32
    %scan3A_47 = arith.constant 16 : i32
    %scan3A_48 = arith.addi %scan3A_46, %scan3A_47 : i32
    %scan3A_49 = arith.constant 1 : i32
    scf.for %scan3A_51 = %scan3A_46 to %scan3A_48 step %scan3A_49  : i32 {
      %mul3A_52 = arith.constant 16 : i32
      %mul3A_53 = arith.muli %scan3A_51, %mul3A_52 : i32
      %get3A = arith.index_cast %mul3A_53 : i32 to index
      %get3A_54 = tpu.vector_load %arg5[%get3A] {strides = array<i32>} : memref<256xi32, #tpu.memory_space<vmem>>, vector<16xi32>,
      %eq3A_55 = arith.constant 0 : i32
      %eq3A_56 = vector.broadcast %eq3A_55 : i32 to vector<16xi32>
      %eq3A_57 = arith.cmpi eq, %get3A_54, %eq3A_56 : vector<16xi32>
      %convert_element_type3A = arith.extui %eq3A_57 : vector<16xi1> to vector<16xi32>
      %reduce_sum3A = arith.constant true
      %reduce_sum3A_58 = vector.broadcast %reduce_sum3A : i1 to vector<16xi1>
      %reduce_sum3A_59 = tpu.scan <sum>, %convert_element_type3A masked %reduce_sum3A_58 : vector<16xi32>, vector<16xi1> -> vector<16xi32>
      %reduce_sum3A_60 = vector.extract %reduce_sum3A_59[15] : i32 from vector<16xi32>
      %gt3A = arith.constant 0 : i32
      %gt3A_61 = arith.cmpi sgt, %reduce_sum3A_60, %gt3A : i32
      %convert_element_type3A_62 = arith.extui %gt3A_61 : i1 to i32
      %cond3A = arith.constant 0 : i32
      %cond3A_63 = arith.cmpi ne, %convert_element_type3A_62, %cond3A : i32
      scf.if %cond3A_63 {
        %mul3A_64 = arith.constant 16 : i32
        %mul3A_65 = arith.muli %scan3A_51, %mul3A_64 : i32
        %iota3A = tpu.iota {dimensions = array<i32: 0>} : vector<16xi32>
        %add3A_66 = vector.broadcast %mul3A_65 : i32 to vector<16xi32>
        %add3A_67 = arith.addi %add3A_66, %iota3A : vector<16xi32>
        %scan3A_68 = arith.constant 0 : i32
        %scan3A_69 = arith.constant 0 : i32
        %scan3A_70 = arith.constant 64 : i32
        %scan3A_71 = arith.addi %scan3A_69, %scan3A_70 : i32
        %scan3A_72 = arith.constant 1 : i32
        scf.for %scan3A_74 = %scan3A_69 to %scan3A_71 step %scan3A_72  : i32 {
          %broadcast_in_dim3A_75 = arith.constant 0 : i32
          %broadcast_in_dim3A_76 = vector.broadcast %broadcast_in_dim3A_75 : i32 to vector<16xi32>
          %add3A_77 = vector.broadcast %scan3A_74 : i32 to vector<16xi32>
          %add3A_78 = arith.addi %broadcast_in_dim3A_76, %add3A_77 : vector<16xi32>
          tpu.vector_store_idx %arg6[%add3A_67, %add3A_78], %broadcast_in_dim3A_44 masked %eq3A_57 : memref<256x64xf32, #tpu.memory_space<vmem>>[vector<16xi32>, vector<16xi32>], vector<16xf32>, vector<16xi1>
        }
        %scan3A_73 = arith.constant 64 : i32
      } else {
      }
    }
    %scan3A_50 = arith.constant 16 : i32
    "tpu.region"() ({
      %run_scoped3A = tpu.sem_alloc : memref<!tpu.dma_semaphore, #tpu.memory_space<semaphore_mem>>
      %dma_start3A = arith.constant 0 : i32
      %dma_start3A_51 = tpu.memref_slice %arg4[%select_n3A, %mul3A_32, %dma_start3A] : memref<4x2048x64xf32, #tpu.memory_space<hbm>> -> memref<1x256x64xf32, #tpu.memory_space<hbm>>
      %dma_start3A_52 = tpu.memref_squeeze %dma_start3A_51 : memref<1x256x64xf32, #tpu.memory_space<hbm>> -> memref<256x64xf32, #tpu.memory_space<hbm>>
      %dma_start3A_53 = arith.constant 0 : i32
      %dma_start3A_54 = tpu.memref_slice %arg4[%select_n3A, %mul3A_32, %dma_start3A_53] : memref<4x2048x64xf32, #tpu.memory_space<hbm>> -> memref<1x256x64xf32, #tpu.memory_space<hbm>>
      %dma_start3A_55 = tpu.memref_squeeze %dma_start3A_54 : memref<1x256x64xf32, #tpu.memory_space<hbm>> -> memref<256x64xf32, #tpu.memory_space<hbm>>
      tpu.enqueue_dma source(%arg6 : memref<256x64xf32, #tpu.memory_space<vmem>>) target(%dma_start3A_55 : memref<256x64xf32, #tpu.memory_space<hbm>>) target_semaphore(%run_scoped3A : memref<!tpu.dma_semaphore, #tpu.memory_space<semaphore_mem>>)
      %dma_wait3A = arith.constant 0 : i32
      %dma_wait3A_56 = tpu.memref_slice %arg4[%select_n3A, %mul3A_32, %dma_wait3A] : memref<4x2048x64xf32, #tpu.memory_space<hbm>> -> memref<1x256x64xf32, #tpu.memory_space<hbm>>
      %dma_wait3A_57 = tpu.memref_squeeze %dma_wait3A_56 : memref<1x256x64xf32, #tpu.memory_space<hbm>> -> memref<256x64xf32, #tpu.memory_space<hbm>>
      %dma_wait3A_58 = arith.constant 0 : i32
      %dma_wait3A_59 = tpu.memref_slice %arg4[%select_n3A, %mul3A_32, %dma_wait3A_58] : memref<4x2048x64xf32, #tpu.memory_space<hbm>> -> memref<1x256x64xf32, #tpu.memory_space<hbm>>
      %dma_wait3A_60 = tpu.memref_squeeze %dma_wait3A_59 : memref<1x256x64xf32, #tpu.memory_space<hbm>> -> memref<256x64xf32, #tpu.memory_space<hbm>>
      tpu.wait_dma2 semaphore(%run_scoped3A : memref<!tpu.dma_semaphore, #tpu.memory_space<semaphore_mem>>) src(%arg6 : memref<256x64xf32, #tpu.memory_space<vmem>>) dst(%dma_wait3A_60 : memref<256x64xf32, #tpu.memory_space<hbm>>)
      tpu.yield
    }) : () -> ()
    return
  }
}

</mosaic_0001>

<sc_bundles>
// kernel: kernel.3.cloned.1.call-start
scs
__scs_entry_jumppad:
0x0: {  	(pc) =	sbr.rel $0x88, $3  }
0x1: {  	(tag) =	ssettag $0x0;
	lr =	simm.s32 $0x1  }
0x2: {  	[smem:$0x3F9F] =	sst lr;
	_ =	strace $0xD0000000  }
0x3: {  	_ = 	snop  }
0x4: {  	_ = 	snop  }
0x5: {  	_ = 	snop  }
0x6: {  	_ = 	snop  }
0x7: {  	_ = 	snop  }
__scs_overlays_trampoline_lowered:
0x8: {  	[smem:$0x3FAE] =	sst s0  }
0x9: {  	[smem:$0x3FAF] =	sst s1  }
0xa: {  	[smem:$0x3FB0] =	sst s2  }
0xb: {  	[smem:$0x3FB1] =	sst s3  }
0xc: {  	[smem:$0x3FB2] =	sst s4  }
0xd: {  	[smem:$0x3FB3] =	sst s5  }
0xe: {  	[smem:$0x3FB4] =	sst s6  }
0xf: {  	[smem:$0x3FB5] =	sst s7  }
0x10: {  	[smem:$0x3FB6] =	sst s8  }
0x11: {  	[smem:$0x3FB7] =	sst s9;
	s0 =	simm.s32 @!p0 $0x0  }
0x12: {  	s1 =	sld [smem:$0x3F9D];
	s0 =	simm.s32 @p0 $0x1  }
0x13: {  	[smem:$0x3FB8] =	sst s0;
	s0 =	simm.s32 @!p1 $0x0  }
0x14: {  	s2 =	sld [smem:$0x3F9C];
	s0 =	simm.s32 @p1 $0x1  }
0x15: {  	[smem:$0x3FB9] =	sst s0;
	s0 =	simm.s32 @!p2 $0x0  }
0x16: {  	s3 =	sld [smem:$0x3FDB];
	s0 =	simm.s32 @p2 $0x1  }
0x17: {  	s4 =	simm.s32 $0x1BF5;
	[smem:$0x3FBB] =	sst s0  }
0x18: {  	s0 =	sld [smem:$0x3F9E];
	_ =	swait.ge [sflag:s4], $0x0  }
0x19: {  	s7 =	sld [smem:$0x3F9F]  }
0x1a: {  	s8 =	sadd.s32 $0xFFFFE003, lr  }
0x1b: {  	s9 =	sadd.s32 $0xFFFFFEF7, lr;
	s5 =	simm.s32 $0xFFFFFFFF;
	p2 =	slt.u32 s8, $0xFFFFF086  }
0x1c: {  	p1 =	slt.u32 s9, $0xF7A;
	s5 =	simm.s32 @!p2 $0x0  }
0x1d: {  	s5 =	simm.s32 @p1 $0x1;
	p0 =	seq.s32 s7, s2  }
0x1e: {  	s7 =	smul.u32 @!p0 $0xF7A, s2;
	p2 =	seq.s32 @!p0 s5, $0x0  }
0x1f: {  	s9 =	smul.u32 $0xF7A, s1;
	s8 =	simm.s32 @!p0 $0x1BF5;
	p2 =	por !p2, p0  }
0x20: {  	[sflag:s8] =	ssyncset.s32 @!p0 $0xFFFFF086;
	s6 =	sadd.s32 @!p0 s3, s7;
	s7 =	simm.s32 @!p0 $0x108  }
0x21: {  	s3 =	sadd.s32 s3, s9;
	s6 =	sadd.s32 @!p0 $0x88, s6;
	s7 =	simm.s32 @p2 $0x1082  }
0x22: {  	[simem:s7], [sflag:s8] =	dma.local @!p0 [hbm:s6], $0xF7A  }
0x23: {  	s9 =	sor.u32 $0xD0000000, s2;
	s6 =	simm.s32 $0x108;
	_ =	swait.ge @!p0 [sflag:s8], $0x0  }
0x24: {  	s3 =	sadd.s32 $0x88, s3;
	s6 =	simm.s32 @!p1 $0x1082;
	[sflag:s4] =	ssyncset.s32 $0xFFFFF086  }
0x25: {  	[simem:s6], [sflag:s4] =	dma.local [hbm:s3], $0xF7A  }
0x26: {  	[smem:$0x3F9F] =	sst s1;
	(tag) =	ssettag s2;
	_ =	strace s9  }
0x27: {  	s1 =	sld [smem:$0x3FAF]  }
0x28: {  	s2 =	sld [smem:$0x3FB0]  }
0x29: {  	s4 =	sld [smem:$0x3FB2]  }
0x2a: {  	p0 =	seq.s32 s5, $0x0;
	s5 =	sld [smem:$0x3FB3]  }
0x2b: {  	s6 =	sld [smem:$0x3FB4]  }
0x2c: {  	s7 =	sld [smem:$0x3FB5]  }
0x2d: {  	s3 =	simm.s32 $0x108;
	s8 =	sld [smem:$0x3FB6]  }
0x2e: {  	s3 =	simm.s32 @!p0 $0x1082;
	s9 =	sld [smem:$0x3FB7]  }
0x2f: {  	lr =	sadd.s32 s0, s3;
	s0 =	sld [smem:$0x3FAE]  }
0x30: {  	s3 =	sld [smem:$0x3FB1]  }
0x31: {  	[smem:$0x3FBA] =	sst s10  }
0x32: {  	s10 =	sld [smem:$0x3FB8];
	_ =	sdelay $0x3  }
0x33: {  	p0 =	seq.s32 s10, $0x1;
	s10 =	sld [smem:$0x3FBA];
	_ =	sdelay $0x3  }
0x34: {  	[smem:$0x3FBA] =	sst s10  }
0x35: {  	s10 =	sld [smem:$0x3FB9];
	_ =	sdelay $0x3  }
0x36: {  	p1 =	seq.s32 s10, $0x1;
	s10 =	sld [smem:$0x3FBA];
	_ =	sdelay $0x3  }
0x37: {  	[smem:$0x3FBA] =	sst s10  }
0x38: {  	s10 =	sld [smem:$0x3FBB]  }
0x39: {  	_ = 	snop;
	(pc) =	sbr.ind lr, $3  }
0x3a: {  	_ = 	snop  }
0x3b: {  	_ = 	snop  }
0x3c: {  	p2 =	seq.s32 s10, $0x1;
	s10 =	sld [smem:$0x3FBA]  }
0x3d: {  	_ =	shalt  }
0x3e: {  	_ =	shalt  }
0x3f: {  	_ =	shalt  }
0x40: {  	_ =	shalt  }
0x41: {  	_ =	shalt  }
0x42: {  	_ =	shalt  }
0x43: {  	_ =	shalt  }
0x44: {  	_ =	shalt  }
0x45: {  	_ =	shalt  }
0x46: {  	_ =	shalt  }
0x47: {  	_ =	shalt  }
0x48: {  	_ =	shalt  }
0x49: {  	_ =	shalt  }
0x4a: {  	_ =	shalt  }
0x4b: {  	_ =	shalt  }
0x4c: {  	_ =	shalt  }
0x4d: {  	_ =	shalt  }
0x4e: {  	_ =	shalt  }
0x4f: {  	_ =	shalt  }
0x50: {  	_ =	shalt  }
0x51: {  	_ =	shalt  }
0x52: {  	_ =	shalt  }
0x53: {  	_ =	shalt  }
0x54: {  	_ =	shalt  }
0x55: {  	_ =	shalt  }
0x56: {  	_ =	shalt  }
0x57: {  	_ =	shalt  }
0x58: {  	_ =	shalt  }
0x59: {  	_ =	shalt  }
0x5a: {  	_ =	shalt  }
0x5b: {  	_ =	shalt  }
0x5c: {  	_ =	shalt  }
0x5d: {  	_ =	shalt  }
0x5e: {  	_ =	shalt  }
0x5f: {  	_ =	shalt  }
0x60: {  	_ =	shalt  }
0x61: {  	_ =	shalt  }
0x62: {  	_ =	shalt  }
0x63: {  	_ =	shalt  }
0x64: {  	_ =	shalt  }
0x65: {  	_ =	shalt  }
0x66: {  	_ =	shalt  }
0x67: {  	_ =	shalt  }
0x68: {  	_ =	shalt  }
0x69: {  	_ =	shalt  }
0x6a: {  	_ =	shalt  }
0x6b: {  	_ =	shalt  }
0x6c: {  	_ =	shalt  }
0x6d: {  	_ =	shalt  }
0x6e: {  	_ =	shalt  }
0x6f: {  	_ =	shalt  }
0x70: {  	_ =	shalt  }
0x71: {  	_ =	shalt  }
0x72: {  	_ =	shalt  }
0x73: {  	_ =	shalt  }
0x74: {  	_ =	shalt  }
0x75: {  	_ =	shalt  }
0x76: {  	_ =	shalt  }
0x77: {  	_ =	shalt  }
0x78: {  	_ =	shalt  }
0x79: {  	_ =	shalt  }
0x7a: {  	_ =	shalt  }
0x7b: {  	_ =	shalt  }
0x7c: {  	_ =	shalt  }
0x7d: {  	_ =	shalt  }
0x7e: {  	_ =	shalt  }
0x7f: {  	_ =	shalt  }
0x80: {  	_ =	shalt  }
0x81: {  	_ =	shalt  }
0x82: {  	_ =	shalt  }
0x83: {  	_ =	shalt  }
0x84: {  	_ =	shalt  }
0x85: {  	_ =	shalt  }
0x86: {  	_ =	shalt  }
0x87: {  	_ =	shalt  }
.Lfunc_end0:
.L_simem_size_0:
called_computation_lowered:
.L_overlay_start_0:
0x88: {  	s2 =	sld [smem:$0x3FD9]  }
0x89: {  	s3 =	sld [smem:$0x3FFE];
	_ =	sdelay $0x1  }
0x8a: {  	s1 =	srdreg.scid  }
0x8b: {  	s0 =	sand.u32 $0x1, s1  }
0x8c: {  	s17 =	sshll.u32 s0, $0xA;
	s2 =	sadd.s32 s3, s2  }
0x8d: {  	s2 =	sadd.s32 s2, s17  }
0x8e: {  	[smem:$0x3FC6] =	sst s2  }
0x8f: {  	_ = 	snop  }
0x90: {  	s2 =	sld [smem:$0x3FC9];
	(tm) =	ssettm $0x1  }
0x91: {  	s18 =	sld [smem:$0x3FFB];
	_ =	sdelay $0x3  }
0x92: {  	_ =	strace s18  }
0x93: {  	s3 =	sld [smem:$0x3FFC];
	_ =	sdelay $0x3  }
0x94: {  	_ =	strace s3  }
0x95: {  	s3 =	sld [smem:$0x3FFD];
	_ =	sdelay $0x3  }
0x96: {  	_ =	strace s3  }
0x97: {  	_ =	strace $0x8FFFFFFF  }
0x98: {  	s19 =	sld [smem:$0x3FDB];
	_ =	sdelay $0x1  }
0x99: {  	s4 =	simm.s32 $_scs_section_size  }
0x9a: {  	s5 =	simm.s32 $_size__tile_overlayer_lowered;
	s6 =	simm.s32 $_tile_overlayer_lowered  }
0x9b: {  	s22 =	simm.s32 $0x1BFF;
	s21 =	sshll.u32 s6, $0x1;
	s3 =	sadd.s32 s4, s19  }
0x9c: {  	s7 =	simm.s32 $0x0;
	s20 =	sshll.u32 s5, $0x1;
	s5 =	sadd.s32 s21, s3  }
0x9d: {  	[timem:s7], [sflag:s22] =	dma.local [hbm:s5], s20  }
0x9e: {  	_ =	swait.ge [sflag:s22], s20  }
0x9f: {  	s4 =	ssub.s32 $0x0, s20;
	[sflag:s22] =	ssyncset.done $0x0  }
0xa0: {  	[sflag:s22] =	ssyncadd.s32 s4;
	_ =	sdelay $0x1  }
0xa1: {  	s23 =	simm.s32 $0x1B8B  }
0xa2: {  	_ =	swait.ge [sflag:s23], $0x1  }
0xa3: {  	[sflag:s23] =	ssyncset.done $0x0  }
0xa4: {  	s25 =	simm.s32 $0x1B8E;
	s24 =	sld [smem:$0x3FFE];
	[sflag:s23] =	ssyncadd.s32 $0xFFFFFFFF  }
0xa5: {  	s26 =	simm.s32 $execute0_lowered;
	[smem:$0x3FD2] =	sst s25  }
0xa6: {  	s5 =	sshll.u32 s26, $0x1;
	_ =	strace $0x80000046;
	[dreg:$0x1] =	wrdreg $0xFFFFFFFF  }
0xa7: {  	s28 =	simm.s32 $_size_execute0_lowered;
	s3 =	sadd.s32 s3, s5;
	[dreg:$0x0] =	wrdreg $0x0  }
0xa8: {  	s5 =	sshll.u32 s28, $0x1;
	[dreg:$0x2] =	wrdreg s3  }
0xa9: {  	[dreg:$0x3] =	wrdreg s5  }
0xaa: {  	[dreg:$0x4] =	wrdreg $0xC0  }
0xab: {  	_ =	task [dreg:s7], $0x5FFFF  }
0xac: {  	[dreg:$0x1] =	wrdreg $0xFFFFFFFF  }
0xad: {  	[dreg:$0x0] =	wrdreg $0x60  }
0xae: {  	[dreg:$0x2] =	wrdreg s24  }
0xaf: {  	[dreg:$0x3] =	wrdreg s2  }
0xb0: {  	[dreg:$0x4] =	wrdreg $0x9  }
0xb1: {  	_ =	task.clear_ibuf [dreg:s7], $0x5FFFF;
	_ =	strace $0x90000046  }
0xb2: {  	s29 =	simm.s32 $0x9;
	_ =	strace $0x80000048  }
0xb3: {  	_ =	swait.ge [sflag:s29], $0x1  }
0xb4: {  	[sflag:s29] =	ssyncadd.s32 $0xFFFFFFFF  }
0xb5: {  	_ =	strace $0x90000048  }
0xb6: {  	_ =	sfence  }
0xb7: {  	s30 =	sld [smem:$0x0];
	_ =	sdelay $0x2  }
0xb8: {  	s31 =	sshll.u32 s1, $0xD;
	s1 =	sshrl.u32 s1, $0x2  }
0xb9: {  	s3 =	sand.u32 $0x4000, s31;
	s1 =	sadd.s32 s1, s30  }
0xba: {  	s0 =	sor.u32 s3, s0;
	s1 =	sshll.u32 s1, $0x11  }
0xbb: {  	s0 =	sor.u32 s1, s0  }
0xbc: {  	s0 =	sadd.s32 $0x8F2B, s0  }
0xbd: {  	[sflag:s0] =	ssyncadd.remote.s32 $0x1  }
0xbe: {  	_ =	sfence.sel $0xFFFF  }
0xbf: {  	[dreg:$0x0] =	wrdreg $0xFFFFFFFF;
	(pc) =	sbr.abs _section_cstart, $3  }
0xc0: {  	[dreg:$0x1] =	wrdreg $0xFFFFFFFF  }
0xc1: {  	_ =	task.clear_ibuf [dreg:s7], $0x2FFFF;
	_ =	strace $0x9FFFFFFF  }
0xc2: {  	(tm) =	ssettm $0x7FFFFFFF  }
0xc3: {  	_ =	shalt  }
tec
execute0_lowered:
.L_overlay_start_1:
0x0: {  	(tag) =	ssettag $0x1  }
0x1: {  	s4 =	rddreg [dreg:$0x0]  }
0x2: {  	s5 =	rddreg [dreg:$0x1];
	s2 =	simm.s32 $0x0  }
0x3: {  	s0 =	stileid.u32;
	s6 =	srdreg.scid;
	s11 =	simm.s32 $0x100  }
0x4: {  	s12 =	simm.s32 $0x0;
	[smem:$0x7FF] =	sst s2;
	s3 =	sadd.s32 $0x400, s4  }
0x5: {  	s7 =	sshrl.u32 s0, $0x2;
	s6 =	sand.u32 $0x1, s6;
	s8 =	sshll.u32 s0, $0x1  }
0x6: {  	_ =	strace $0x80000047;
	s9 =	sshll.u32 s7, $0xF;
	s10 =	ssub.s32 $0x2, s6  }
0x7: {  	s8 =	sand.u32 $0x6, s8;
	s7 =	sshll.u32 s7, $0x4;
	s4 =	sadd.s32 s9, s4  }
.Ltmp0:
0x8: {  	s28 =	sshrl.u32 s10, $0x1;
	s6 =	sor.u32 s6, s8;
	(pc) =	sbr.rel .LBB2_1-.Ltmp0, $4  }
0x9: {  	s5 =	sadd.s32 s5, s7;
	s7 =	simm.s32 $0x80;
	s8 =	simm.s32 $0x200  }
0xa: {  	s9 =	simm.s32 $0x2;
	s29 =	ssub.s32 s10, s28;
	s30 =	sshll.u32 s6, $0xC  }
0xb: {  	v1 =	vlaneseq.u32;
	s6 =	sshll.u32 s6, $0x7;
	s10 =	simm.s32 $0x1;
	s31 =	sadd.s32 s30, s4  }
0xc: {  	v0 =	vimm.s32 $0x0;
	v2 =	vimm.f32 $0.0e+00;
	v1 =	vmul.u32 $0x80, v1;
	s4 =	sadd.s32 s6, s5;
	s6 =	smax.u32 s29, $0x1;
	s5 =	sadd.s32 $0x186E00, s31  }
.LBB2_11:
0xd: {  	s12 =	sadd.s32 $0x1, s12  }
0xe: {  	p0 =	sne.s32 s12, s6  }
.Ltmp1:
0xf: {  	_ = 	snop;
	(pc) =	sbr.rel @!p0 .LBB2_12-.Ltmp1, $4  }
0x10: {  	[hbm4b:s5+s2] =	stream.linear.scatter [tilespmem:s11], [sflag:$0x2], $0x8000, $0x38;
	[tilespmem:$0x8100] =	vst v63  }
0x11: {  	_ =	swait.ge [sflag:s9], $0x8000  }
0x12: {  	[sflag:s9] =	ssyncset.done $0x0  }
0x13: {  	[sflag:s9] =	ssyncadd.s32 $0xFFFF8000  }
.LBB2_1:
0x14: {  	[tilespmem:s2], [sflag:$0x2] =	stream.strided.gather [hbm4b:s4+s7], $0x100, s8, s7, $0x38;
	[tilespmem:$0x8100] =	vst v63  }
0x15: {  	_ =	swait.ge [sflag:s9], $0x100  }
0x16: {  	[sflag:s9] =	ssyncset.done $0x0  }
0x17: {  	[sflag:s9] =	ssyncadd.s32 $0xFFFFFF00  }
0x18: {  	v3 =	vld [tilespmem:s2+$0x0];
	_ =	sdelay $0x4  }
0x19: {  	v3 =	vshll.u32 v3, $0x4  }
0x1a: {  	(v2sf) =	vpush v3, $0x0  }
0x1b: {  	(v2sf) =	vpush v3, $0x1  }
0x1c: {  	(v2sf) =	vpush v3, $0x2;
	_ =	sdelay $0x1  }
0x1d: {  	(v2sf) =	vpush v3, $0x4;
	_ =	sdelay $0x1  }
0x1e: {  	(v2sf) =	vpush v3, $0x3  }
0x1f: {  	(v2sf) =	vpush v3, $0x5  }
0x20: {  	s14 =	simm.s32 $0x2000;
	s13 =	simm.s32 $0x0;
	s15 =	simm.s32 $0x0;
	(v2sf) =	vpush v3, $0x6  }
.LBB2_2:
0x21: {  	p0 =	sne.s32 s14, $0x1E000  }
0x22: {  	s25 =	sadd.s32 $0x180, s13;
	s19 =	sadd.s32 $0x680, s13;
	s16 =	smov.u32 s14  }
0x23: {  	s14 =	sadd.s32 $0x2000, s14;
	s22 =	sadd.s32 $0x480, s13;
	s17 =	sadd.s32 $0x700, s13;
	(v2sf) =	vpush v3, $0x7  }
0x24: {  	s24 =	sadd.s32 $0x380, s13;
	s21 =	sadd.s32 $0x500, s13;
	s18 =	sadd.s32 $0x780, s13  }
0x25: {  	s26 =	sadd.s32 $0x100, s13;
	s28 =	sadd.s32 $0x300, s13;
	(v2sf) =	vpush v3, $0x8  }
0x26: {  	s29 =	sadd.s32 $0x400, s13;
	s15 =	sadd.s32 $0x10, s15  }
0x27: {  	s30 =	sadd.s32 $0x200, s13;
	s20 =	sadd.s32 $0x600, s13;
	s23 =	spop (v2sf);
	(v2sf) =	vpush v3, $0x9  }
0x28: {  	s31 =	sand.u32 $0x1FFFFFF0, s23;
	s23 =	sadd.s32 $0x580, s13;
	s0 =	spop (v2sf)  }
0x29: {  	s31 =	sadd.s32 s3, s31;
	s0 =	sand.u32 $0x1FFFFFF0, s0;
	s1 =	spop (v2sf);
	(v2sf) =	vpush v3, $0xA  }
0x2a: {  	[tilespmem:s26], [sflag:$0x1] =	stream.linear.gather [hbm4b:s31+s2], $0x80, $0x38;
	[tilespmem:$0x8100] =	vst v63  }
0x2b: {  	s0 =	sadd.s32 s3, s0;
	s26 =	sadd.s32 $0x280, s13;
	s31 =	spop (v2sf);
	(v2sf) =	vpush v3, $0xB  }
0x2c: {  	[tilespmem:s25], [sflag:$0x1] =	stream.linear.gather [hbm4b:s0+s2], $0x80, $0x38;
	[tilespmem:$0x8100] =	vst v63  }
0x2d: {  	s0 =	sand.u32 $0x1FFFFFF0, s1;
	s1 =	sand.u32 $0x1FFFFFF0, s31;
	s25 =	spop (v2sf);
	(v2sf) =	vpush v3, $0xC  }
0x2e: {  	s0 =	sadd.s32 s3, s0;
	s25 =	sand.u32 $0x1FFFFFF0, s25;
	s31 =	spop (v2sf)  }
0x2f: {  	[tilespmem:s30], [sflag:$0x1] =	stream.linear.gather [hbm4b:s0+s2], $0x80, $0x38;
	(v2sf) =	vpush v3, $0xD;
	[tilespmem:$0x8100] =	vst v63  }
0x30: {  	s0 =	sadd.s32 s3, s25;
	s25 =	sand.u32 $0x1FFFFFF0, s31;
	s30 =	spop (v2sf)  }
0x31: {  	[tilespmem:s26], [sflag:$0x1] =	stream.linear.gather [hbm4b:s0+s2], $0x80, $0x38;
	(v2sf) =	vpush v3, $0xE;
	[tilespmem:$0x8100] =	vst v63  }
0x32: {  	s0 =	sadd.s32 s3, s1;
	s1 =	sand.u32 $0x1FFFFFF0, s30;
	s26 =	spop (v2sf)  }
0x33: {  	[tilespmem:s28], [sflag:$0x1] =	stream.linear.gather [hbm4b:s0+s2], $0x80, $0x38;
	(v2sf) =	vpush v3, $0xF;
	[tilespmem:$0x8100] =	vst v63  }
0x34: {  	s0 =	sadd.s32 s3, s25;
	s25 =	sand.u32 $0x1FFFFFF0, s26;
	s26 =	spop (v2sf)  }
0x35: {  	[tilespmem:s24], [sflag:$0x1] =	stream.linear.gather [hbm4b:s0+s2], $0x80, $0x38;
	[tilespmem:$0x8100] =	vst v63  }
0x36: {  	s0 =	sadd.s32 s3, s1;
	s1 =	sand.u32 $0x1FFFFFF0, s26;
	s24 =	spop (v2sf)  }
0x37: {  	[tilespmem:s29], [sflag:$0x1] =	stream.linear.gather [hbm4b:s0+s2], $0x80, $0x38;
	[tilespmem:$0x8100] =	vst v63  }
0x38: {  	s0 =	sadd.s32 s3, s25;
	s24 =	sand.u32 $0x1FFFFFF0, s24;
	s25 =	spop (v2sf)  }
0x39: {  	[tilespmem:s22], [sflag:$0x1] =	stream.linear.gather [hbm4b:s0+s2], $0x80, $0x38;
	[tilespmem:$0x8100] =	vst v63  }
0x3a: {  	s0 =	sadd.s32 s3, s1;
	s1 =	sand.u32 $0x1FFFFFF0, s25;
	s22 =	spop (v2sf)  }
0x3b: {  	[tilespmem:s21], [sflag:$0x1] =	stream.linear.gather [hbm4b:s0+s2], $0x80, $0x38;
	[tilespmem:$0x8100] =	vst v63  }
0x3c: {  	s0 =	sadd.s32 s3, s24;
	s21 =	sand.u32 $0x1FFFFFF0, s22;
	s22 =	spop (v2sf)  }
0x3d: {  	[tilespmem:s23], [sflag:$0x1] =	stream.linear.gather [hbm4b:s0+s2], $0x80, $0x38;
	[tilespmem:$0x8100] =	vst v63  }
0x3e: {  	s0 =	sadd.s32 s3, s1;
	s1 =	sand.u32 $0x1FFFFFF0, s22;
	s22 =	spop (v2sf)  }
0x3f: {  	[tilespmem:s20], [sflag:$0x1] =	stream.linear.gather [hbm4b:s0+s2], $0x80, $0x38;
	[tilespmem:$0x8100] =	vst v63  }
0x40: {  	s0 =	sadd.s32 s3, s21;
	s20 =	sand.u32 $0x1FFFFFF0, s22;
	s21 =	spop (v2sf)  }
0x41: {  	[tilespmem:s19], [sflag:$0x1] =	stream.linear.gather [hbm4b:s0+s2], $0x80, $0x38;
	[tilespmem:$0x8100] =	vst v63  }
0x42: {  	s0 =	sadd.s32 s3, s1;
	s1 =	sand.u32 $0x1FFFFFF0, s21;
	s19 =	spop (v2sf)  }
0x43: {  	[tilespmem:s17], [sflag:$0x1] =	stream.linear.gather [hbm4b:s0+s2], $0x80, $0x38;
	[tilespmem:$0x8100] =	vst v63  }
0x44: {  	s0 =	sadd.s32 s3, s20;
	s17 =	sand.u32 $0x1FFFFFF0, s19  }
0x45: {  	[tilespmem:s18], [sflag:$0x1] =	stream.linear.gather [hbm4b:s0+s2], $0x80, $0x38;
	[tilespmem:$0x8100] =	vst v63  }
0x46: {  	s1 =	sadd.s32 s3, s1;
	s0 =	sadd.s32 $0x800, s13  }
0x47: {  	[tilespmem:s0], [sflag:$0x1] =	stream.linear.gather [hbm4b:s1+s2], $0x80, $0x38;
	[tilespmem:$0x8100] =	vst v63  }
0x48: {  	s0 =	sadd.s32 $0x880, s13;
	s1 =	sadd.s32 s3, s17  }
0x49: {  	[tilespmem:s0], [sflag:$0x1] =	stream.linear.gather [hbm4b:s1+s2], $0x80, $0x38;
	[tilespmem:$0x8100] =	vst v63  }
0x4a: {  	v3 =	vld [tilespmem:s15+$0x0];
	_ =	sdelay $0x4  }
0x4b: {  	v3 =	vshll.u32 v3, $0x4  }
0x4c: {  	(v2sf) =	vpush v3, $0x0  }
0x4d: {  	(v2sf) =	vpush v3, $0x1  }
0x4e: {  	(v2sf) =	vpush v3, $0x2;
	_ =	sdelay $0x1  }
0x4f: {  	(v2sf) =	vpush v3, $0x4  }
.Ltmp2:
0x50: {  	(pc) =	sbr.rel @p0 .LBB2_2-.Ltmp2, $3  }
0x51: {  	(v2sf) =	vpush v3, $0x3  }
0x52: {  	(v2sf) =	vpush v3, $0x5;
	_ =	sdelay $0x1  }
0x53: {  	s13 =	sshra.s32 s16, $0x2;
	(v2sf) =	vpush v3, $0x6  }
0x54: {  	_ =	sdelay $0x1  }
0x55: {  	s0 =	sadd.s32 $0x180, s13;
	s16 =	sadd.s32 $0x680, s13  }
0x56: {  	s1 =	sadd.s32 $0x480, s13;
	s14 =	sadd.s32 $0x700, s13;
	(v2sf) =	vpush v3, $0x7;
	s17 =	sadd.s32 $0x380, s13  }
0x57: {  	s18 =	sadd.s32 $0x500, s13;
	s15 =	sadd.s32 $0x780, s13;
	s19 =	sadd.s32 $0x100, s13  }
0x58: {  	s20 =	sadd.s32 $0x300, s13;
	s21 =	sadd.s32 $0x400, s13;
	(v2sf) =	vpush v3, $0x8;
	s22 =	spop (v2sf)  }
0x59: {  	s23 =	sadd.s32 $0x200, s13;
	s22 =	sand.u32 $0x1FFFFFF0, s22;
	s24 =	spop (v2sf)  }
0x5a: {  	(v2sf) =	vpush v3, $0x9;
	s22 =	sadd.s32 s3, s22;
	s24 =	sand.u32 $0x1FFFFFF0, s24;
	s25 =	spop (v2sf)  }
0x5b: {  	[tilespmem:s19], [sflag:$0x1] =	stream.linear.gather [hbm4b:s22+s2], $0x80, $0x38;
	[tilespmem:$0x8100] =	vst v63  }
0x5c: {  	(v2sf) =	vpush v3, $0xA;
	s26 =	sadd.s32 s3, s24;
	s29 =	sand.u32 $0x1FFFFFF0, s25;
	s28 =	spop (v2sf)  }
0x5d: {  	[tilespmem:s0], [sflag:$0x1] =	stream.linear.gather [hbm4b:s26+s2], $0x80, $0x38;
	[tilespmem:$0x8100] =	vst v63  }
0x5e: {  	s19 =	sadd.s32 $0x600, s13;
	(v2sf) =	vpush v3, $0xB;
	s22 =	sadd.s32 s3, s29;
	s30 =	spop (v2sf)  }
0x5f: {  	s0 =	sadd.s32 $0x580, s13;
	s26 =	sadd.s32 $0x280, s13;
	s25 =	sand.u32 $0x1FFFFFF0, s30  }
0x60: {  	(v2sf) =	vpush v3, $0xC;
	[tilespmem:s23], [sflag:$0x1] =	stream.linear.gather [hbm4b:s22+s2], $0x80, $0x38;
	[tilespmem:$0x8100] =	vst v63  }
0x61: {  	s31 =	sand.u32 $0x1FFFFFF0, s28;
	s28 =	spop (v2sf);
	s29 =	sadd.s32 s3, s25  }
0x62: {  	(v2sf) =	vpush v3, $0xD;
	[tilespmem:s26], [sflag:$0x1] =	stream.linear.gather [hbm4b:s29+s2], $0x80, $0x38;
	[tilespmem:$0x8100] =	vst v63  }
0x63: {  	s22 =	sadd.s32 s3, s31;
	s23 =	sand.u32 $0x1FFFFFF0, s28;
	s30 =	spop (v2sf)  }
0x64: {  	(v2sf) =	vpush v3, $0xE;
	[tilespmem:s20], [sflag:$0x1] =	stream.linear.gather [hbm4b:s22+s2], $0x80, $0x38;
	[tilespmem:$0x8100] =	vst v63  }
0x65: {  	s23 =	sadd.s32 s3, s23;
	s31 =	sand.u32 $0x1FFFFFF0, s30;
	s24 =	spop (v2sf)  }
0x66: {  	(v2sf) =	vpush v3, $0xF;
	[tilespmem:s17], [sflag:$0x1] =	stream.linear.gather [hbm4b:s23+s2], $0x80, $0x38;
	[tilespmem:$0x8100] =	vst v63  }
0x67: {  	s25 =	sand.u32 $0x1FFFFFF0, s24;
	s26 =	spop (v2sf);
	s20 =	sadd.s32 s3, s31  }
0x68: {  	[tilespmem:s21], [sflag:$0x1] =	stream.linear.gather [hbm4b:s20+s2], $0x80, $0x38;
	[tilespmem:$0x8100] =	vst v63  }
0x69: {  	s28 =	sand.u32 $0x1FFFFFF0, s26;
	s17 =	sadd.s32 s3, s25;
	s29 =	spop (v2sf)  }
0x6a: {  	[tilespmem:s1], [sflag:$0x1] =	stream.linear.gather [hbm4b:s17+s2], $0x80, $0x38;
	[tilespmem:$0x8100] =	vst v63  }
0x6b: {  	s20 =	sadd.s32 s3, s28;
	s30 =	sand.u32 $0x1FFFFFF0, s29;
	s31 =	spop (v2sf)  }
0x6c: {  	[tilespmem:s18], [sflag:$0x1] =	stream.linear.gather [hbm4b:s20+s2], $0x80, $0x38;
	[tilespmem:$0x8100] =	vst v63  }
0x6d: {  	s17 =	sand.u32 $0x1FFFFFF0, s31;
	s1 =	sadd.s32 s3, s30;
	s20 =	spop (v2sf)  }
0x6e: {  	[tilespmem:s0], [sflag:$0x1] =	stream.linear.gather [hbm4b:s1+s2], $0x80, $0x38;
	[tilespmem:$0x8100] =	vst v63  }
0x6f: {  	s17 =	sadd.s32 s3, s17;
	s21 =	sand.u32 $0x1FFFFFF0, s20;
	s22 =	spop (v2sf)  }
0x70: {  	[tilespmem:s19], [sflag:$0x1] =	stream.linear.gather [hbm4b:s17+s2], $0x80, $0x38;
	[tilespmem:$0x8100] =	vst v63  }
0x71: {  	s0 =	sadd.s32 s3, s21;
	s1 =	sand.u32 $0x1FFFFFF0, s22;
	s23 =	spop (v2sf)  }
0x72: {  	[tilespmem:s16], [sflag:$0x1] =	stream.linear.gather [hbm4b:s0+s2], $0x80, $0x38;
	[tilespmem:$0x8100] =	vst v63  }
0x73: {  	s24 =	sand.u32 $0x1FFFFFF0, s23;
	s1 =	sadd.s32 s3, s1;
	s25 =	spop (v2sf)  }
0x74: {  	[tilespmem:s14], [sflag:$0x1] =	stream.linear.gather [hbm4b:s1+s2], $0x80, $0x38;
	[tilespmem:$0x8100] =	vst v63  }
0x75: {  	s26 =	sand.u32 $0x1FFFFFF0, s25;
	s28 =	spop (v2sf);
	s0 =	sadd.s32 s3, s24  }
0x76: {  	[tilespmem:s15], [sflag:$0x1] =	stream.linear.gather [hbm4b:s0+s2], $0x80, $0x38;
	[tilespmem:$0x8100] =	vst v63  }
0x77: {  	s30 =	sadd.s32 $0x800, s13;
	s29 =	sand.u32 $0x1FFFFFF0, s28;
	s1 =	sadd.s32 s3, s26  }
0x78: {  	[tilespmem:s30], [sflag:$0x1] =	stream.linear.gather [hbm4b:s1+s2], $0x80, $0x38;
	[tilespmem:$0x8100] =	vst v63  }
0x79: {  	s31 =	sadd.s32 $0x880, s13;
	s0 =	sadd.s32 s3, s29  }
0x7a: {  	[tilespmem:s31], [sflag:$0x1] =	stream.linear.gather [hbm4b:s0+s2], $0x80, $0x38;
	[tilespmem:$0x8100] =	vst v63  }
0x7b: {  	_ =	swait.ge [sflag:s10], $0x80  }
0x7c: {  	[sflag:s10] =	ssyncset.done $0x0  }
0x7d: {  	[sflag:s10] =	ssyncadd.s32 $0xFFFFFF80  }
0x7e: {  	_ =	swait.ge [sflag:s10], $0x80  }
0x7f: {  	[sflag:s10] =	ssyncset.done $0x0  }
0x80: {  	[sflag:s10] =	ssyncadd.s32 $0xFFFFFF80  }
0x81: {  	_ =	swait.ge [sflag:s10], $0x80  }
0x82: {  	[sflag:s10] =	ssyncset.done $0x0  }
0x83: {  	[sflag:s10] =	ssyncadd.s32 $0xFFFFFF80  }
0x84: {  	_ =	swait.ge [sflag:s10], $0x80  }
0x85: {  	[sflag:s10] =	ssyncset.done $0x0  }
0x86: {  	[sflag:s10] =	ssyncadd.s32 $0xFFFFFF80  }
0x87: {  	_ =	swait.ge [sflag:s10], $0x80  }
0x88: {  	[sflag:s10] =	ssyncset.done $0x0  }
0x89: {  	[sflag:s10] =	ssyncadd.s32 $0xFFFFFF80  }
0x8a: {  	_ =	swait.ge [sflag:s10], $0x80  }
0x8b: {  	[sflag:s10] =	ssyncset.done $0x0  }
0x8c: {  	[sflag:s10] =	ssyncadd.s32 $0xFFFFFF80  }
0x8d: {  	_ =	swait.ge [sflag:s10], $0x80  }
0x8e: {  	[sflag:s10] =	ssyncset.done $0x0  }
0x8f: {  	[sflag:s10] =	ssyncadd.s32 $0xFFFFFF80  }
0x90: {  	_ =	swait.ge [sflag:s10], $0x80  }
0x91: {  	[sflag:s10] =	ssyncset.done $0x0  }
0x92: {  	[sflag:s10] =	ssyncadd.s32 $0xFFFFFF80  }
0x93: {  	_ =	swait.ge [sflag:s10], $0x80  }
0x94: {  	[sflag:s10] =	ssyncset.done $0x0  }
0x95: {  	[sflag:s10] =	ssyncadd.s32 $0xFFFFFF80  }
0x96: {  	_ =	swait.ge [sflag:s10], $0x80  }
0x97: {  	[sflag:s10] =	ssyncset.done $0x0  }
0x98: {  	[sflag:s10] =	ssyncadd.s32 $0xFFFFFF80  }
0x99: {  	_ =	swait.ge [sflag:s10], $0x80  }
0x9a: {  	[sflag:s10] =	ssyncset.done $0x0  }
0x9b: {  	[sflag:s10] =	ssyncadd.s32 $0xFFFFFF80  }
0x9c: {  	_ =	swait.ge [sflag:s10], $0x80  }
0x9d: {  	[sflag:s10] =	ssyncset.done $0x0  }
0x9e: {  	[sflag:s10] =	ssyncadd.s32 $0xFFFFFF80  }
0x9f: {  	_ =	swait.ge [sflag:s10], $0x80  }
0xa0: {  	[sflag:s10] =	ssyncset.done $0x0  }
0xa1: {  	[sflag:s10] =	ssyncadd.s32 $0xFFFFFF80  }
0xa2: {  	_ =	swait.ge [sflag:s10], $0x80  }
0xa3: {  	[sflag:s10] =	ssyncset.done $0x0  }
0xa4: {  	[sflag:s10] =	ssyncadd.s32 $0xFFFFFF80  }
0xa5: {  	_ =	swait.ge [sflag:s10], $0x80  }
0xa6: {  	[sflag:s10] =	ssyncset.done $0x0  }
0xa7: {  	[sflag:s10] =	ssyncadd.s32 $0xFFFFFF80  }
0xa8: {  	_ =	swait.ge [sflag:s10], $0x80  }
0xa9: {  	s13 =	simm.s32 $0xF;
	[sflag:s10] =	ssyncset.done $0x0  }
.LBB2_4:
0xaa: {  	p0 =	sne.s32 s13, $0x1;
	s13 =	sadd.s32 $0xFFFFFFFF, s13;
	[sflag:s10] =	ssyncadd.s32 $0xFFFFFF80  }
0xab: {  	_ =	swait.ge [sflag:s10], $0x80  }
0xac: {  	[sflag:s10] =	ssyncset.done $0x0  }
0xad: {  	[sflag:s10] =	ssyncadd.s32 $0xFFFFFF80  }
0xae: {  	_ =	swait.ge [sflag:s10], $0x80  }
0xaf: {  	[sflag:s10] =	ssyncset.done $0x0  }
0xb0: {  	[sflag:s10] =	ssyncadd.s32 $0xFFFFFF80  }
0xb1: {  	_ =	swait.ge [sflag:s10], $0x80  }
0xb2: {  	[sflag:s10] =	ssyncset.done $0x0  }
0xb3: {  	[sflag:s10] =	ssyncadd.s32 $0xFFFFFF80  }
0xb4: {  	_ =	swait.ge [sflag:s10], $0x80  }
0xb5: {  	[sflag:s10] =	ssyncset.done $0x0  }
0xb6: {  	[sflag:s10] =	ssyncadd.s32 $0xFFFFFF80  }
0xb7: {  	_ =	swait.ge [sflag:s10], $0x80  }
0xb8: {  	[sflag:s10] =	ssyncset.done $0x0  }
0xb9: {  	[sflag:s10] =	ssyncadd.s32 $0xFFFFFF80  }
0xba: {  	_ =	swait.ge [sflag:s10], $0x80  }
0xbb: {  	[sflag:s10] =	ssyncset.done $0x0  }
0xbc: {  	[sflag:s10] =	ssyncadd.s32 $0xFFFFFF80  }
0xbd: {  	_ =	swait.ge [sflag:s10], $0x80  }
0xbe: {  	[sflag:s10] =	ssyncset.done $0x0  }
0xbf: {  	[sflag:s10] =	ssyncadd.s32 $0xFFFFFF80  }
0xc0: {  	_ =	swait.ge [sflag:s10], $0x80  }
0xc1: {  	[sflag:s10] =	ssyncset.done $0x0  }
0xc2: {  	[sflag:s10] =	ssyncadd.s32 $0xFFFFFF80  }
0xc3: {  	_ =	swait.ge [sflag:s10], $0x80  }
0xc4: {  	[sflag:s10] =	ssyncset.done $0x0  }
0xc5: {  	[sflag:s10] =	ssyncadd.s32 $0xFFFFFF80  }
0xc6: {  	_ =	swait.ge [sflag:s10], $0x80  }
0xc7: {  	[sflag:s10] =	ssyncset.done $0x0  }
0xc8: {  	[sflag:s10] =	ssyncadd.s32 $0xFFFFFF80  }
0xc9: {  	_ =	swait.ge [sflag:s10], $0x80  }
0xca: {  	[sflag:s10] =	ssyncset.done $0x0  }
0xcb: {  	[sflag:s10] =	ssyncadd.s32 $0xFFFFFF80  }
0xcc: {  	_ =	swait.ge [sflag:s10], $0x80  }
0xcd: {  	[sflag:s10] =	ssyncset.done $0x0  }
0xce: {  	[sflag:s10] =	ssyncadd.s32 $0xFFFFFF80  }
0xcf: {  	_ =	swait.ge [sflag:s10], $0x80  }
0xd0: {  	[sflag:s10] =	ssyncset.done $0x0  }
0xd1: {  	[sflag:s10] =	ssyncadd.s32 $0xFFFFFF80  }
0xd2: {  	_ =	swait.ge [sflag:s10], $0x80  }
0xd3: {  	[sflag:s10] =	ssyncset.done $0x0  }
0xd4: {  	[sflag:s10] =	ssyncadd.s32 $0xFFFFFF80  }
.Ltmp3:
0xd5: {  	_ =	swait.ge [sflag:s10], $0x80;
	(pc) =	sbr.rel @p0 .LBB2_4-.Ltmp3, $4  }
0xd6: {  	[sflag:s10] =	ssyncset.done $0x0  }
0xd7: {  	[sflag:s10] =	ssyncadd.s32 $0xFFFFFF80  }
0xd8: {  	_ =	swait.ge [sflag:s10], $0x80  }
0xd9: {  	[sflag:s10] =	ssyncset.done $0x0  }
.Ltmp4:
0xda: {  	(pc) =	sbr.rel .LBB2_6-.Ltmp4, $2  }
0xdb: {  	_ =	sdelay $0x2  }
0xdc: {  	[sflag:s10] =	ssyncadd.s32 $0xFFFFFF80;
	s13 =	simm.s32 $0x0  }
.LBB2_10:
0xdd: {  	s13 =	sadd.s32 $0x1, s13  }
0xde: {  	p0 =	sne.s32 s13, $0x10  }
.Ltmp5:
0xdf: {  	_ = 	snop;
	(pc) =	sbr.rel @!p0 .LBB2_11-.Ltmp5, $1  }
0xe0: {  	_ =	sdelay $0x3  }
.LBB2_6:
0xe1: {  	s14 =	sshll.u32 s13, $0x4  }
0xe2: {  	v3 =	vld [tilespmem:s14+$0x0];
	_ =	sdelay $0x4  }
0xe3: {  	vm0 =	veq.s32 v3, $0x0  }
0xe4: {  	v3 =	vsel vm0, $0x1, v0  }
0xe5: {  	(xrf0) =	vadd.scan.msk.s32 $0xffff, v3;
	_ =	sdelay $0x5  }
0xe6: {  	v3, _, _ =	vpop (xrf0)  }
0xe7: {  	(v2sf) =	vpush v3, $0xF;
	_ =	sdelay $0xe  }
0xe8: {  	s0 =	spop (v2sf)  }
0xe9: {  	p0 =	slt.s32 s0, $0x1  }
.Ltmp6:
0xea: {  	_ = 	snop;
	(pc) =	sbr.rel @p0 .LBB2_10-.Ltmp6, $1  }
0xeb: {  	_ =	sdelay $0x3  }
0xec: {  	s0 =	simm.s32 $0x0  }
0xed: {  	v3 =	vmov s0  }
0xee: {  	v4 =	vmov s14;
	v3 =	vand.u32 $0x7F, v3  }
0xef: {  	v4 =	vshll.u32 v4, $0x7;
	v5 =	vbroadcast v3, $0x0  }
0xf0: {  	v3 =	vor.u32 v1, v4  }
0xf1: {  	s14 =	simm.s32 $0x1;
	v4 =	vor.u32 v3, v5  }
.LBB2_8:
0xf2: {  	p0 =	sne.s32 s14, $0x3F  }
.Ltmp7:
0xf3: {  	v5 =	vmov s14;
	s14 =	sadd.s32 $0x1, s14;
	(pc) =	sbr.rel @p0 .LBB2_8-.Ltmp7, $4  }
0xf4: {  	v5 =	vand.u32 $0x7F, v5  }
0xf5: {  	v5 =	vbroadcast v5, $0x0  }
0xf6: {  	[tilespmem:v4+s11+$0x0] =	vst.idx.msk vm0, v2  }
0xf7: {  	v4 =	vor.u32 v3, v5  }
0xf8: {  	_ = 	snop  }
.Ltmp8:
0xf9: {  	_ = 	snop;
	(pc) =	sbr.rel .LBB2_10-.Ltmp8, $2  }
0xfa: {  	_ =	sdelay $0x2  }
0xfb: {  	[tilespmem:v4+s11+$0x0] =	vst.idx.msk vm0, v2  }
.LBB2_12:
0xfc: {  	_ =	sfence.sel $0x180000  }
0xfd: {  	[bflag:$0x0] =	sbarrier.arrive $0xFFFF  }
0xfe: {  	_ =	strace $0x90000047  }
0xff: {  	s0 =	stileid.u32;
	[bflag:$0x2] =	sbarrier.arrive $0xFFFF  }
0x100: {  	p0 =	sne.s32 s0, $0x0;
	s0 =	rddreg [dreg:$0x2]  }
0x101: {  	s0 =	sadd.s32 @!p0 $0x100000, s0  }
0x102: {  	[sflag:s0] =	ssyncadd.tile.s32 @!p0 $0x1;
	_ =	shalt  }
.Lfunc_end2:
_tile_overlayer_lowered:
.L_overlay_start_2:
0x103: {  	(tag) =	ssettag $0x2  }
0x104: {  	s0 =	rddreg [dreg:$0x0];
	s2 =	stileid.u32  }
0x105: {  	s1 =	rddreg [dreg:$0x1];
	p0 =	sne.s32 s2, $0x0  }
0x106: {  	s3 =	rddreg [dreg:$0x2];
	[bflag:$0x3] =	sbarrier.arrive $0xFFFF;
	s2 =	simm.s32 @!p0 $0x1C02  }
0x107: {  	[timem:s3], [sflag:s2] =	dma.local @!p0 [hbm:s0], s1  }
0x108: {  	s0 =	simm.s32 @!p0 $0x2  }
0x109: {  	_ =	swait.ge @!p0 [sflag:s0], s1  }
0x10a: {  	s1 =	ssub.s32 @!p0 $0x0, s1;
	[sflag:s0] =	ssyncset.done @!p0 $0x0  }
0x10b: {  	[sflag:s0] =	ssyncadd.s32 @!p0 s1  }
0x10c: {  	[bflag:$0x3] =	sbarrier.arrive $0xFFFF  }
0x10d: {  	_ =	shalt  }

</sc_bundles>
